<compile_context>
chip_gen: v7x
topology: tpu7x:2x2x1
jax: 0.10.2.dev20260603
libtpu: 0.0.44.dev20260713+nightly
codegen_flags: <defaults>
</compile_context>

<pallas_src>
import functools

import jax
import jax.numpy as jnp
from jax import lax
from jax.experimental import pallas as pl
from jax.experimental.pallas import tpu as pltpu
from jax.experimental.pallas import tpu_sc as plsc

_IN = 384
_HID = 1536
_FC1 = 3072
_E = 4
_N = 1568
_BT = 224
_NB = _N // _BT
_GRID = _NB + _E - 1
_BPW = 56
_NW = 28

_INTERPRET = False


def _routing_body(t_ref, meta_ref, pos_ref, ord_ref):
    f32 = jnp.float32
    i32 = jnp.int32
    t = t_ref[...] % _E

    lane128 = lax.broadcasted_iota(i32, (1, 128), 1)
    oh = (t == lane128).astype(f32)
    r_io = lax.broadcasted_iota(i32, (_N, _N), 0)
    c_io = lax.broadcasted_iota(i32, (_N, _N), 1)
    tril = (r_io > c_io).astype(f32)
    csum = jnp.dot(tril, oh, preferred_element_type=f32)
    rank = jnp.sum(csum * oh, axis=1, keepdims=True)

    counts = jnp.sum(oh, axis=0, keepdims=True)
    su_r = lax.broadcasted_iota(i32, (128, 128), 0)
    su_c = lax.broadcasted_iota(i32, (128, 128), 1)
    su = (su_r < su_c).astype(f32)
    offs = jnp.dot(counts, su, preferred_element_type=f32)
    offs_t = jnp.sum(offs * oh, axis=1, keepdims=True)
    pos = rank + offs_t
    pos_ref[...] = pos.astype(i32)

    p_io = lax.broadcasted_iota(i32, (_N, _N), 1).astype(f32)
    perm = (pos == p_io).astype(f32)
    iota_row = lax.broadcasted_iota(i32, (1, _N), 1).astype(f32)
    ord_ref[...] = jnp.dot(iota_row, perm,
                           preferred_element_type=f32).astype(i32)

    kblk = ((lax.broadcasted_iota(i32, (8, 128), 0) + 1) * _BT).astype(f32)
    fb = jnp.sum((offs >= kblk).astype(f32), axis=0, keepdims=True)
    offs_hi = offs + counts
    lb = jnp.sum(((offs_hi - 1.0) >= kblk).astype(f32), axis=0,
                 keepdims=True)
    nb = jnp.where(counts > 0, lb - fb + 1.0, 0.0)
    starts = jnp.dot(nb, su, preferred_element_type=f32)
    total = jnp.sum(nb, axis=1, keepdims=True)

    s_col = lax.broadcasted_iota(i32, (16, 1), 0).astype(f32)
    lane_lt_e = (lane128 < _E)
    ge = ((starts <= s_col) & lane_lt_e).astype(f32)
    e_of = jnp.sum(ge, axis=1, keepdims=True) - 1.0
    eoh = (e_of == lane128.astype(f32)).astype(f32)
    fb_of = jnp.sum(eoh * fb, axis=1, keepdims=True)
    st_of = jnp.sum(eoh * starts, axis=1, keepdims=True)
    b_of = jnp.clip(fb_of + s_col - st_of, 0.0, float(_NB - 1))
    valid = (s_col < total).astype(f32)
    e_last = jnp.sum(jnp.where(s_col == total - 1.0, e_of, 0.0),
                     axis=0, keepdims=True)
    me = jnp.where(valid > 0, e_of, e_last)
    mb = jnp.where(valid > 0, b_of, float(_NB - 1))

    eye = (lax.broadcasted_iota(i32, (16, 128), 0)
           == lax.broadcasted_iota(i32, (16, 128), 1)).astype(f32)
    offs_col = jnp.sum(eye * offs, axis=1, keepdims=True)

    meta = jnp.concatenate(
        [mb, me, valid, offs_col, jnp.zeros((16, 4), f32)], axis=1)
    meta_ref[...] = meta.astype(i32)


def _routing(t_col):
    return pl.pallas_call(
        _routing_body,
        in_specs=[pl.BlockSpec((_N, 1), lambda: (0, 0))],
        out_specs=[pl.BlockSpec((16, 8), lambda: (0, 0)),
                   pl.BlockSpec((_N, 1), lambda: (0, 0)),
                   pl.BlockSpec((1, _N), lambda: (0, 0))],
        out_shape=[jax.ShapeDtypeStruct((16, 8), jnp.int32),
                   jax.ShapeDtypeStruct((_N, 1), jnp.int32),
                   jax.ShapeDtypeStruct((1, _N), jnp.int32)],
        interpret=_INTERPRET,
    )(t_col)


def _gather_rows(src, idx):
    mesh = plsc.VectorSubcoreMesh(core_axis_name="c", subcore_axis_name="s")

    @functools.partial(
        pl.kernel, mesh=mesh,
        out_type=jax.ShapeDtypeStruct((_N, _IN), jnp.float32),
        scratch_types=[pltpu.VMEM((_BPW,), jnp.int32),
                       pltpu.VMEM((_BPW, _IN), jnp.float32),
                       pltpu.SemaphoreType.DMA],
    )
    def k(src_hbm, idx_hbm, dst_hbm, idx_v, rows_v, sem):
        wid = lax.axis_index("s") * 2 + lax.axis_index("c")

        @pl.when(wid < _NW)
        def _():
            base = wid * _BPW
            pltpu.sync_copy(idx_hbm.at[pl.ds(base, _BPW)], idx_v)
            pltpu.async_copy(src_hbm.at[idx_v], rows_v, sem).wait()
            pltpu.sync_copy(rows_v, dst_hbm.at[pl.ds(base, _BPW)])

    return k(src, idx)


def _mlp_body(meta_ref, xs_ref, w1_ref, b1_ref, w2_ref, b2_ref, ys_ref):
    s = pl.program_id(0)

    @pl.when(meta_ref[s, 2] > 0)
    def _():
        e = meta_ref[s, 1]
        lo = meta_ref[e, 3]
        hi = meta_ref[e + 1, 3]
        x = xs_ref[...].astype(jnp.bfloat16)
        w1 = w1_ref[0].astype(jnp.bfloat16)
        h = jnp.dot(x, w1, preferred_element_type=jnp.float32) + b1_ref[0]
        a = h[:, :_HID]
        g = h[:, _HID:]
        h2 = (a * (g / (1.0 + jnp.exp(-g)))).astype(jnp.bfloat16)
        y = (jnp.dot(h2, w2_ref[0].astype(jnp.bfloat16),
                     preferred_element_type=jnp.float32)
             + b2_ref[0])
        rows = meta_ref[s, 0] * _BT + lax.broadcasted_iota(
            jnp.int32, (_BT, 1), 0)
        mask = (rows >= lo) & (rows < hi)
        ys_ref[...] = jnp.where(mask, y, ys_ref[...])


def _grouped_mlp(meta, xs, W1, b1, W2, b2):
    return pl.pallas_call(
        _mlp_body,
        grid_spec=pltpu.PrefetchScalarGridSpec(
            num_scalar_prefetch=1,
            grid=(_GRID,),
            in_specs=[
                pl.BlockSpec((_BT, _IN), lambda i, m: (m[i, 0], 0)),
                pl.BlockSpec((1, _IN, _FC1), lambda i, m: (m[i, 1], 0, 0)),
                pl.BlockSpec((1, 1, _FC1), lambda i, m: (m[i, 1], 0, 0)),
                pl.BlockSpec((1, _HID, _IN), lambda i, m: (m[i, 1], 0, 0)),
                pl.BlockSpec((1, 1, _IN), lambda i, m: (m[i, 1], 0, 0)),
            ],
            out_specs=pl.BlockSpec((_BT, _IN), lambda i, m: (m[i, 0], 0)),
        ),
        out_shape=jax.ShapeDtypeStruct((_N, _IN), jnp.float32),
        interpret=_INTERPRET,
    )(meta, xs, W1, b1, W2, b2)


def kernel(x, leat_t, W1, b1, W2, b2):
    x2d = x.reshape(_N, _IN)
    t_col = leat_t.reshape(_N, 1).astype(jnp.int32)

    meta, pos, order = _routing(t_col)
    xs = _gather_rows(x2d, order.reshape(_N))
    out2d = _gather_rows(xs, pos.reshape(_N))
    return out2d.reshape(x.shape[:-1] + (_IN,))

# --- scband reference (transcript-rebuilt; emitter-appended) ---
"""Pipeline reference for scband-mlp-moe-60163901882987 (READ-ONLY COPY).

The authoritative reference and input builder live on the scoring server;
editing this copy changes nothing except your own understanding.
"""

import jax, jax.numpy as jnp
import numpy as np

MAX_T = 4
IN_DIMS = 384
HIDDEN = int(IN_DIMS * 4.0)          # 1536
FC1_OUT = HIDDEN * 2                  # 3072 (swiglu)
OUT_DIMS = 384
B, H, W = 8, 14, 14


def setup_inputs(seed: int = 0) -> dict:
    key = jax.random.key(seed)
    k0, k1, k2, k3 = jax.random.split(key, 4)
    x = jax.random.normal(k0, (B, H, W, IN_DIMS), dtype=jnp.float32)
    leat_t = jax.random.randint(k1, (B, H, W), 0, MAX_T)
    # per-expert MLP params (stacked over MAX_T experts)
    W1 = jax.random.normal(k2, (MAX_T, IN_DIMS, FC1_OUT), dtype=jnp.float32) * 0.02
    b1 = jnp.zeros((MAX_T, FC1_OUT), dtype=jnp.float32)
    W2 = jax.random.normal(k3, (MAX_T, HIDDEN, OUT_DIMS), dtype=jnp.float32) * 0.02
    b2 = jnp.zeros((MAX_T, OUT_DIMS), dtype=jnp.float32)
    return {"x": x, "leat_t": leat_t, "W1": W1, "b1": b1, "W2": W2, "b2": b2}


def reference(x, leat_t, W1, b1, W2, b2):
    max_t = W1.shape[0]
    t = leat_t % max_t
    out = jnp.zeros(x.shape[:-1] + (W2.shape[-1],), dtype=x.dtype)
    for i in range(max_t):
        h = jnp.einsum('bhwc,cf->bhwf', x, W1[i]) + b1[i]
        # SwiGLU: chunk -> (x_half, gate); silu(gate) * x_half
        a, g = jnp.split(h, 2, axis=-1)
        h2 = jax.nn.silu(g) * a
        y = jnp.einsum('bhwf,fo->bhwo', h2, W2[i]) + b2[i]
        mask = (t == i)[..., None]
        out = jnp.where(mask, y, out)
    return out

if __name__ == "__main__":
    import jax
    _d = setup_inputs()
    print(jax.jit(kernel)(*tuple(_d.values())))

</pallas_src>

<mosaic_0001>
#map = affine_map<(d0, d1) -> (0, 0)>
#map1 = affine_map<(d0, d1) -> (0)>
module attributes {stable_mosaic.version = 14 : i64} {
  func.func @k(%arg0: i32, %arg1: i32, %arg2: memref<1568x384xf32, #tpu.memory_space<hbm>>, %arg3: memref<1568xi32, #tpu.memory_space<hbm>>, %arg4: memref<1568x384xf32, #tpu.memory_space<hbm>>, %arg5: memref<56xi32, #tpu.memory_space<vmem>>, %arg6: memref<56x384xf32, #tpu.memory_space<vmem>>, %arg7: memref<!tpu.dma_semaphore, #tpu.memory_space<semaphore_mem>>) attributes {dimension_semantics = [#tpu.dimension_semantics<core_parallel>, #tpu.dimension_semantics<subcore_parallel>], iteration_bounds = array<i64: 2, 16>, scalar_prefetch = 0 : i64, scratch_operands = 3 : i64, tpu.core_type = #tpu.core_type<sc_vector_subcore>, window_params = [{transform_indices = #map}, {transform_indices = #map1}, {transform_indices = #map}]} {
    %mul3A = arith.constant 2 : i32
    %mul3A_0 = arith.muli %arg1, %mul3A : i32
    %add3A = arith.addi %mul3A_0, %arg0 : i32
    %lt3A = arith.constant 28 : i32
    %lt3A_1 = arith.cmpi slt, %add3A, %lt3A : i32
    %convert_element_type3A = arith.extui %lt3A_1 : i1 to i32
    %cond3A = arith.constant 0 : i32
    %cond3A_2 = arith.cmpi ne, %convert_element_type3A, %cond3A : i32
    scf.if %cond3A_2 {
      %mul3A_3 = arith.constant 56 : i32
      %mul3A_4 = arith.muli %add3A, %mul3A_3 : i32
      "tpu.region"() ({
        %run_scoped3A = tpu.sem_alloc : memref<!tpu.dma_semaphore, #tpu.memory_space<semaphore_mem>>
        %dma_start3A_9 = tpu.memref_slice %arg3[%mul3A_4] : memref<1568xi32, #tpu.memory_space<hbm>> -> memref<56xi32, #tpu.memory_space<hbm>>
        %dma_start3A_10 = tpu.memref_slice %arg3[%mul3A_4] : memref<1568xi32, #tpu.memory_space<hbm>> -> memref<56xi32, #tpu.memory_space<hbm>>
        tpu.enqueue_dma source(%dma_start3A_10 : memref<56xi32, #tpu.memory_space<hbm>>) target(%arg5 : memref<56xi32, #tpu.memory_space<vmem>>) target_semaphore(%run_scoped3A : memref<!tpu.dma_semaphore, #tpu.memory_space<semaphore_mem>>)
        %dma_wait3A_11 = tpu.memref_slice %arg3[%mul3A_4] : memref<1568xi32, #tpu.memory_space<hbm>> -> memref<56xi32, #tpu.memory_space<hbm>>
        %dma_wait3A_12 = tpu.memref_slice %arg3[%mul3A_4] : memref<1568xi32, #tpu.memory_space<hbm>> -> memref<56xi32, #tpu.memory_space<hbm>>
        tpu.wait_dma2 semaphore(%run_scoped3A : memref<!tpu.dma_semaphore, #tpu.memory_space<semaphore_mem>>) src(%dma_wait3A_12 : memref<56xi32, #tpu.memory_space<hbm>>) dst(%arg5 : memref<56xi32, #tpu.memory_space<vmem>>)
        tpu.yield
      }) : () -> ()
      %dma_start3A = arith.constant 0 : i32
      %dma_start3A_5 = arith.constant 0 : i32
      %dma_start3A_6 = tpu.memref_slice %arg2[%dma_start3A, %dma_start3A_5] : memref<1568x384xf32, #tpu.memory_space<hbm>> -> memref<1568x384xf32, #tpu.memory_space<hbm>>
      tpu.enqueue_indirect_dma source(%dma_start3A_6 : memref<1568x384xf32, #tpu.memory_space<hbm>>) target(%arg6 : memref<56x384xf32, #tpu.memory_space<vmem>>) offsets(%arg5 : memref<56xi32, #tpu.memory_space<vmem>>) semaphore(%arg7 : memref<!tpu.dma_semaphore, #tpu.memory_space<semaphore_mem>>)
      %dma_wait3A = arith.constant 0 : i32
      %dma_wait3A_7 = arith.constant 0 : i32
      %dma_wait3A_8 = tpu.memref_slice %arg2[%dma_wait3A, %dma_wait3A_7] : memref<1568x384xf32, #tpu.memory_space<hbm>> -> memref<1568x384xf32, #tpu.memory_space<hbm>>
      tpu.wait_indirect_dma semaphore(%arg7 : memref<!tpu.dma_semaphore, #tpu.memory_space<semaphore_mem>>) src(%dma_wait3A_8 : memref<1568x384xf32, #tpu.memory_space<hbm>>) dst(%arg6 : memref<56x384xf32, #tpu.memory_space<vmem>>)
      "tpu.region"() ({
        %run_scoped3A = tpu.sem_alloc : memref<!tpu.dma_semaphore, #tpu.memory_space<semaphore_mem>>
        %dma_start3A_9 = arith.constant 0 : i32
        %dma_start3A_10 = tpu.memref_slice %arg4[%mul3A_4, %dma_start3A_9] : memref<1568x384xf32, #tpu.memory_space<hbm>> -> memref<56x384xf32, #tpu.memory_space<hbm>>
        %dma_start3A_11 = arith.constant 0 : i32
        %dma_start3A_12 = tpu.memref_slice %arg4[%mul3A_4, %dma_start3A_11] : memref<1568x384xf32, #tpu.memory_space<hbm>> -> memref<56x384xf32, #tpu.memory_space<hbm>>
        tpu.enqueue_dma source(%arg6 : memref<56x384xf32, #tpu.memory_space<vmem>>) target(%dma_start3A_12 : memref<56x384xf32, #tpu.memory_space<hbm>>) target_semaphore(%run_scoped3A : memref<!tpu.dma_semaphore, #tpu.memory_space<semaphore_mem>>)
        %dma_wait3A_13 = arith.constant 0 : i32
        %dma_wait3A_14 = tpu.memref_slice %arg4[%mul3A_4, %dma_wait3A_13] : memref<1568x384xf32, #tpu.memory_space<hbm>> -> memref<56x384xf32, #tpu.memory_space<hbm>>
        %dma_wait3A_15 = arith.constant 0 : i32
        %dma_wait3A_16 = tpu.memref_slice %arg4[%mul3A_4, %dma_wait3A_15] : memref<1568x384xf32, #tpu.memory_space<hbm>> -> memref<56x384xf32, #tpu.memory_space<hbm>>
        tpu.wait_dma2 semaphore(%run_scoped3A : memref<!tpu.dma_semaphore, #tpu.memory_space<semaphore_mem>>) src(%arg6 : memref<56x384xf32, #tpu.memory_space<vmem>>) dst(%dma_wait3A_16 : memref<56x384xf32, #tpu.memory_space<hbm>>)
        tpu.yield
      }) : () -> ()
    } else {
    }
    return
  }
}

#map = affine_map<(d0, d1) -> (0, 0)>
#map1 = affine_map<(d0, d1) -> (0)>
module attributes {stable_mosaic.version = 14 : i64} {
  func.func @k(%arg0: i32, %arg1: i32, %arg2: memref<1568x384xf32, #tpu.memory_space<hbm>>, %arg3: memref<1568xi32, #tpu.memory_space<hbm>>, %arg4: memref<1568x384xf32, #tpu.memory_space<hbm>>, %arg5: memref<56xi32, #tpu.memory_space<vmem>>, %arg6: memref<56x384xf32, #tpu.memory_space<vmem>>, %arg7: memref<!tpu.dma_semaphore, #tpu.memory_space<semaphore_mem>>) attributes {dimension_semantics = [#tpu.dimension_semantics<core_parallel>, #tpu.dimension_semantics<subcore_parallel>], iteration_bounds = array<i64: 2, 16>, scalar_prefetch = 0 : i64, scratch_operands = 3 : i64, tpu.core_type = #tpu.core_type<sc_vector_subcore>, window_params = [{transform_indices = #map}, {transform_indices = #map1}, {transform_indices = #map}]} {
    %mul3A = arith.constant 2 : i32
    %mul3A_0 = arith.muli %arg1, %mul3A : i32
    %add3A = arith.addi %mul3A_0, %arg0 : i32
    %lt3A = arith.constant 28 : i32
    %lt3A_1 = arith.cmpi slt, %add3A, %lt3A : i32
    %convert_element_type3A = arith.extui %lt3A_1 : i1 to i32
    %cond3A = arith.constant 0 : i32
    %cond3A_2 = arith.cmpi ne, %convert_element_type3A, %cond3A : i32
    scf.if %cond3A_2 {
      %mul3A_3 = arith.constant 56 : i32
      %mul3A_4 = arith.muli %add3A, %mul3A_3 : i32
      "tpu.region"() ({
        %run_scoped3A = tpu.sem_alloc : memref<!tpu.dma_semaphore, #tpu.memory_space<semaphore_mem>>
        %dma_start3A_9 = tpu.memref_slice %arg3[%mul3A_4] : memref<1568xi32, #tpu.memory_space<hbm>> -> memref<56xi32, #tpu.memory_space<hbm>>
        %dma_start3A_10 = tpu.memref_slice %arg3[%mul3A_4] : memref<1568xi32, #tpu.memory_space<hbm>> -> memref<56xi32, #tpu.memory_space<hbm>>
        tpu.enqueue_dma source(%dma_start3A_10 : memref<56xi32, #tpu.memory_space<hbm>>) target(%arg5 : memref<56xi32, #tpu.memory_space<vmem>>) target_semaphore(%run_scoped3A : memref<!tpu.dma_semaphore, #tpu.memory_space<semaphore_mem>>)
        %dma_wait3A_11 = tpu.memref_slice %arg3[%mul3A_4] : memref<1568xi32, #tpu.memory_space<hbm>> -> memref<56xi32, #tpu.memory_space<hbm>>
        %dma_wait3A_12 = tpu.memref_slice %arg3[%mul3A_4] : memref<1568xi32, #tpu.memory_space<hbm>> -> memref<56xi32, #tpu.memory_space<hbm>>
        tpu.wait_dma2 semaphore(%run_scoped3A : memref<!tpu.dma_semaphore, #tpu.memory_space<semaphore_mem>>) src(%dma_wait3A_12 : memref<56xi32, #tpu.memory_space<hbm>>) dst(%arg5 : memref<56xi32, #tpu.memory_space<vmem>>)
        tpu.yield
      }) : () -> ()
      %dma_start3A = arith.constant 0 : i32
      %dma_start3A_5 = arith.constant 0 : i32
      %dma_start3A_6 = tpu.memref_slice %arg2[%dma_start3A, %dma_start3A_5] : memref<1568x384xf32, #tpu.memory_space<hbm>> -> memref<1568x384xf32, #tpu.memory_space<hbm>>
      tpu.enqueue_indirect_dma source(%dma_start3A_6 : memref<1568x384xf32, #tpu.memory_space<hbm>>) target(%arg6 : memref<56x384xf32, #tpu.memory_space<vmem>>) offsets(%arg5 : memref<56xi32, #tpu.memory_space<vmem>>) semaphore(%arg7 : memref<!tpu.dma_semaphore, #tpu.memory_space<semaphore_mem>>)
      %dma_wait3A = arith.constant 0 : i32
      %dma_wait3A_7 = arith.constant 0 : i32
      %dma_wait3A_8 = tpu.memref_slice %arg2[%dma_wait3A, %dma_wait3A_7] : memref<1568x384xf32, #tpu.memory_space<hbm>> -> memref<1568x384xf32, #tpu.memory_space<hbm>>
      tpu.wait_indirect_dma semaphore(%arg7 : memref<!tpu.dma_semaphore, #tpu.memory_space<semaphore_mem>>) src(%dma_wait3A_8 : memref<1568x384xf32, #tpu.memory_space<hbm>>) dst(%arg6 : memref<56x384xf32, #tpu.memory_space<vmem>>)
      "tpu.region"() ({
        %run_scoped3A = tpu.sem_alloc : memref<!tpu.dma_semaphore, #tpu.memory_space<semaphore_mem>>
        %dma_start3A_9 = arith.constant 0 : i32
        %dma_start3A_10 = tpu.memref_slice %arg4[%mul3A_4, %dma_start3A_9] : memref<1568x384xf32, #tpu.memory_space<hbm>> -> memref<56x384xf32, #tpu.memory_space<hbm>>
        %dma_start3A_11 = arith.constant 0 : i32
        %dma_start3A_12 = tpu.memref_slice %arg4[%mul3A_4, %dma_start3A_11] : memref<1568x384xf32, #tpu.memory_space<hbm>> -> memref<56x384xf32, #tpu.memory_space<hbm>>
        tpu.enqueue_dma source(%arg6 : memref<56x384xf32, #tpu.memory_space<vmem>>) target(%dma_start3A_12 : memref<56x384xf32, #tpu.memory_space<hbm>>) target_semaphore(%run_scoped3A : memref<!tpu.dma_semaphore, #tpu.memory_space<semaphore_mem>>)
        %dma_wait3A_13 = arith.constant 0 : i32
        %dma_wait3A_14 = tpu.memref_slice %arg4[%mul3A_4, %dma_wait3A_13] : memref<1568x384xf32, #tpu.memory_space<hbm>> -> memref<56x384xf32, #tpu.memory_space<hbm>>
        %dma_wait3A_15 = arith.constant 0 : i32
        %dma_wait3A_16 = tpu.memref_slice %arg4[%mul3A_4, %dma_wait3A_15] : memref<1568x384xf32, #tpu.memory_space<hbm>> -> memref<56x384xf32, #tpu.memory_space<hbm>>
        tpu.wait_dma2 semaphore(%run_scoped3A : memref<!tpu.dma_semaphore, #tpu.memory_space<semaphore_mem>>) src(%arg6 : memref<56x384xf32, #tpu.memory_space<vmem>>) dst(%dma_wait3A_16 : memref<56x384xf32, #tpu.memory_space<hbm>>)
        tpu.yield
      }) : () -> ()
    } else {
    }
    return
  }
}

module attributes {stable_mosaic.version = 14 : i64} {
  func.func @_routing_body(%arg0: memref<1568x1xi32, #tpu.memory_space<vmem>>, %arg1: memref<16x8xi32, #tpu.memory_space<vmem>>, %arg2: memref<1568x1xi32, #tpu.memory_space<vmem>>, %arg3: memref<1x1568xi32, #tpu.memory_space<vmem>>) attributes {dimension_semantics = [], scalar_prefetch = 0 : i64, scratch_operands = 0 : i64, tpu.core_type = #tpu.core_type<tc>} {
    %get3A = arith.constant 0 : index
    %get3A_0 = arith.constant 0 : index
    %get3A_1 = vector.load %arg0[%get3A, %get3A_0] : memref<1568x1xi32, #tpu.memory_space<vmem>>, vector<1568x1xi32>
    %jit3A = arith.constant 4 : i32
    %eq3A = arith.constant 0 : i32
    %eq3A_2 = arith.cmpi eq, %jit3A, %eq3A : i32
    %jit3A_3 = arith.constant 1 : i32
    %select_n3A = arith.select %eq3A_2, %jit3A_3, %jit3A : i32
    %rem3A = vector.broadcast %select_n3A : i32 to vector<1568x1xi32>
    %rem3A_4 = arith.remsi %get3A_1, %rem3A : vector<1568x1xi32>
    %ne3A = arith.constant 0 : i32
    %ne3A_5 = vector.broadcast %ne3A : i32 to vector<1568x1xi32>
    %ne3A_6 = arith.cmpi ne, %rem3A_4, %ne3A_5 : vector<1568x1xi32>
    %lt3A = arith.constant 0 : i32
    %lt3A_7 = vector.broadcast %lt3A : i32 to vector<1568x1xi32>
    %lt3A_8 = arith.cmpi slt, %rem3A_4, %lt3A_7 : vector<1568x1xi32>
    %lt3A_9 = arith.constant 0 : i32
    %lt3A_10 = arith.cmpi slt, %select_n3A, %lt3A_9 : i32
    %ne3A_11 = vector.broadcast %lt3A_10 : i1 to vector<1568x1xi1>
    %ne3A_12 = vector.broadcast %ne3A_11 : vector<1568x1xi1> to vector<1568x1xi1>
    %ne3A_13 = arith.xori %lt3A_8, %ne3A_12 : vector<1568x1xi1>
    %and3A = arith.andi %ne3A_13, %ne3A_6 : vector<1568x1xi1>
    %add3A = vector.broadcast %select_n3A : i32 to vector<1568x1xi32>
    %add3A_14 = arith.addi %rem3A_4, %add3A : vector<1568x1xi32>
    %select_n3A_15 = arith.select %and3A, %add3A_14, %rem3A_4 : vector<1568x1xi1>, vector<1568x1xi32>
    %iota3A = tpu.iota {dimensions = array<i32: 1>} : vector<1x128xi32>
    %eq3A_16 = vector.broadcast %select_n3A_15 : vector<1568x1xi32> to vector<1568x128xi32>
    %eq3A_17 = vector.broadcast %iota3A : vector<1x128xi32> to vector<1568x128xi32>
    %eq3A_18 = arith.cmpi eq, %eq3A_16, %eq3A_17 : vector<1568x128xi32>
    %convert_element_type3A = arith.extui %eq3A_18 : vector<1568x128xi1> to vector<1568x128xi32>
    %convert_element_type3A_19 = arith.sitofp %convert_element_type3A : vector<1568x128xi32> to vector<1568x128xf32>
    %iota3A_20 = tpu.iota {dimensions = array<i32: 0>} : vector<1568x1568xi32>
    %iota3A_21 = tpu.iota {dimensions = array<i32: 1>} : vector<1568x1568xi32>
    %gt3A = arith.cmpi sgt, %iota3A_20, %iota3A_21 : vector<1568x1568xi32>
    %convert_element_type3A_22 = arith.extui %gt3A : vector<1568x1568xi1> to vector<1568x1568xi32>
    %convert_element_type3A_23 = arith.sitofp %convert_element_type3A_22 : vector<1568x1568xi32> to vector<1568x1568xf32>
    %dot_general3A = arith.constant dense<0.000000e+00> : vector<1568x128xf32>
    %dot_general3A_24 = tpu.matmul %convert_element_type3A_23, %convert_element_type3A_19, %dot_general3A {dimension_numbers = #tpu.dot_dimension_numbers<[1], [0], [0], [1], [0, 0, 1, 1], [], []>, transpose_lhs_hint = false} : vector<1568x1568xf32>, vector<1568x128xf32>, vector<1568x128xf32> -> vector<1568x128xf32>
    %mul3A = arith.mulf %dot_general3A_24, %convert_element_type3A_19 : vector<1568x128xf32>
    %reduce_sum3A = arith.constant dense<0.000000e+00> : vector<1568xf32>
    %reduce_sum3A_25 = vector.multi_reduction <add>, %mul3A, %reduce_sum3A [1] : vector<1568x128xf32> to vector<1568xf32>
    %broadcast_in_dim3A = vector.shape_cast %reduce_sum3A_25 : vector<1568xf32> to vector<1568x1xf32>
    %reduce_sum3A_26 = arith.constant dense<0.000000e+00> : vector<128xf32>
    %reduce_sum3A_27 = vector.multi_reduction <add>, %convert_element_type3A_19, %reduce_sum3A_26 [0] : vector<1568x128xf32> to vector<128xf32>
    %broadcast_in_dim3A_28 = vector.shape_cast %reduce_sum3A_27 : vector<128xf32> to vector<1x128xf32>
    %iota3A_29 = tpu.iota {dimensions = array<i32: 0>} : vector<128x128xi32>
    %iota3A_30 = tpu.iota {dimensions = array<i32: 1>} : vector<128x128xi32>
    %lt3A_31 = arith.cmpi slt, %iota3A_29, %iota3A_30 : vector<128x128xi32>
    %convert_element_type3A_32 = arith.extui %lt3A_31 : vector<128x128xi1> to vector<128x128xi32>
    %convert_element_type3A_33 = arith.sitofp %convert_element_type3A_32 : vector<128x128xi32> to vector<128x128xf32>
    %dot_general3A_34 = arith.constant dense<0.000000e+00> : vector<1x128xf32>
    %dot_general3A_35 = tpu.matmul %broadcast_in_dim3A_28, %convert_element_type3A_33, %dot_general3A_34 {dimension_numbers = #tpu.dot_dimension_numbers<[1], [0], [0], [1], [0, 0, 1, 1], [], []>, transpose_lhs_hint = false} : vector<1x128xf32>, vector<128x128xf32>, vector<1x128xf32> -> vector<1x128xf32>
    %mul3A_36 = vector.broadcast %dot_general3A_35 : vector<1x128xf32> to vector<1568x128xf32>
    %mul3A_37 = arith.mulf %mul3A_36, %convert_element_type3A_19 : vector<1568x128xf32>
    %reduce_sum3A_38 = arith.constant dense<0.000000e+00> : vector<1568xf32>
    %reduce_sum3A_39 = vector.multi_reduction <add>, %mul3A_37, %reduce_sum3A_38 [1] : vector<1568x128xf32> to vector<1568xf32>
    %broadcast_in_dim3A_40 = vector.shape_cast %reduce_sum3A_39 : vector<1568xf32> to vector<1568x1xf32>
    %add3A_41 = arith.addf %broadcast_in_dim3A, %broadcast_in_dim3A_40 : vector<1568x1xf32>
    %convert_element_type3A_42 = arith.fptosi %add3A_41 : vector<1568x1xf32> to vector<1568x1xi32>
    %swap3A = arith.constant 0 : index
    %swap3A_43 = arith.constant 0 : index
    %swap3A_44 = vector.load %arg2[%swap3A, %swap3A_43] : memref<1568x1xi32, #tpu.memory_space<vmem>>, vector<1568x1xi32>
    tpu.vector_store %arg2[%swap3A, %swap3A_43], %convert_element_type3A_42 {strides = array<i32>} : memref<1568x1xi32, #tpu.memory_space<vmem>>, vector<1568x1xi32>,
    %iota3A_45 = tpu.iota {dimensions = array<i32: 1>} : vector<1568x1568xi32>
    %convert_element_type3A_46 = arith.sitofp %iota3A_45 : vector<1568x1568xi32> to vector<1568x1568xf32>
    %eq3A_47 = vector.broadcast %add3A_41 : vector<1568x1xf32> to vector<1568x1568xf32>
    %eq3A_48 = arith.cmpf oeq, %eq3A_47, %convert_element_type3A_46 : vector<1568x1568xf32>
    %convert_element_type3A_49 = arith.extui %eq3A_48 : vector<1568x1568xi1> to vector<1568x1568xi32>
    %convert_element_type3A_50 = arith.sitofp %convert_element_type3A_49 : vector<1568x1568xi32> to vector<1568x1568xf32>
    %iota3A_51 = tpu.iota {dimensions = array<i32: 1>} : vector<1x1568xi32>
    %convert_element_type3A_52 = arith.sitofp %iota3A_51 : vector<1x1568xi32> to vector<1x1568xf32>
    %dot_general3A_53 = arith.constant dense<0.000000e+00> : vector<1x1568xf32>
    %dot_general3A_54 = tpu.matmul %convert_element_type3A_52, %convert_element_type3A_50, %dot_general3A_53 {dimension_numbers = #tpu.dot_dimension_numbers<[1], [0], [0], [1], [0, 0, 1, 1], [], []>, transpose_lhs_hint = false} : vector<1x1568xf32>, vector<1568x1568xf32>, vector<1x1568xf32> -> vector<1x1568xf32>
    %convert_element_type3A_55 = arith.fptosi %dot_general3A_54 : vector<1x1568xf32> to vector<1x1568xi32>
    %swap3A_56 = arith.constant 0 : index
    %swap3A_57 = arith.constant 0 : index
    %swap3A_58 = vector.load %arg3[%swap3A_56, %swap3A_57] : memref<1x1568xi32, #tpu.memory_space<vmem>>, vector<1x1568xi32>
    tpu.vector_store %arg3[%swap3A_56, %swap3A_57], %convert_element_type3A_55 {strides = array<i32>} : memref<1x1568xi32, #tpu.memory_space<vmem>>, vector<1x1568xi32>,
    %iota3A_59 = tpu.iota {dimensions = array<i32: 0>} : vector<8x128xi32>
    %add3A_60 = arith.constant 1 : i32
    %add3A_61 = vector.broadcast %add3A_60 : i32 to vector<8x128xi32>
    %add3A_62 = arith.addi %iota3A_59, %add3A_61 : vector<8x128xi32>
    %mul3A_63 = arith.constant 224 : i32
    %mul3A_64 = vector.broadcast %mul3A_63 : i32 to vector<8x128xi32>
    %mul3A_65 = arith.muli %add3A_62, %mul3A_64 : vector<8x128xi32>
    %convert_element_type3A_66 = arith.sitofp %mul3A_65 : vector<8x128xi32> to vector<8x128xf32>
    %ge3A = vector.broadcast %dot_general3A_35 : vector<1x128xf32> to vector<8x128xf32>
    %ge3A_67 = arith.cmpf oge, %ge3A, %convert_element_type3A_66 : vector<8x128xf32>
    %convert_element_type3A_68 = arith.extui %ge3A_67 : vector<8x128xi1> to vector<8x128xi32>
    %convert_element_type3A_69 = arith.sitofp %convert_element_type3A_68 : vector<8x128xi32> to vector<8x128xf32>
    %reduce_sum3A_70 = arith.constant dense<0.000000e+00> : vector<128xf32>
    %reduce_sum3A_71 = vector.multi_reduction <add>, %convert_element_type3A_69, %reduce_sum3A_70 [0] : vector<8x128xf32> to vector<128xf32>
    %broadcast_in_dim3A_72 = vector.shape_cast %reduce_sum3A_71 : vector<128xf32> to vector<1x128xf32>
    %add3A_73 = arith.addf %dot_general3A_35, %broadcast_in_dim3A_28 : vector<1x128xf32>
    %sub3A = arith.constant 1.000000e+00 : f32
    %sub3A_74 = vector.broadcast %sub3A : f32 to vector<1x128xf32>
    %sub3A_75 = arith.subf %add3A_73, %sub3A_74 : vector<1x128xf32>
    %ge3A_76 = vector.broadcast %sub3A_75 : vector<1x128xf32> to vector<8x128xf32>
    %ge3A_77 = arith.cmpf oge, %ge3A_76, %convert_element_type3A_66 : vector<8x128xf32>
    %convert_element_type3A_78 = arith.extui %ge3A_77 : vector<8x128xi1> to vector<8x128xi32>
    %convert_element_type3A_79 = arith.sitofp %convert_element_type3A_78 : vector<8x128xi32> to vector<8x128xf32>
    %reduce_sum3A_80 = arith.constant dense<0.000000e+00> : vector<128xf32>
    %reduce_sum3A_81 = vector.multi_reduction <add>, %convert_element_type3A_79, %reduce_sum3A_80 [0] : vector<8x128xf32> to vector<128xf32>
    %broadcast_in_dim3A_82 = vector.shape_cast %reduce_sum3A_81 : vector<128xf32> to vector<1x128xf32>
    %gt3A_83 = arith.constant 0.000000e+00 : f32
    %gt3A_84 = vector.broadcast %gt3A_83 : f32 to vector<1x128xf32>
    %gt3A_85 = arith.cmpf ogt, %broadcast_in_dim3A_28, %gt3A_84 : vector<1x128xf32>
    %sub3A_86 = arith.subf %broadcast_in_dim3A_82, %broadcast_in_dim3A_72 : vector<1x128xf32>
    %add3A_87 = arith.constant 1.000000e+00 : f32
    %add3A_88 = vector.broadcast %add3A_87 : f32 to vector<1x128xf32>
    %add3A_89 = arith.addf %sub3A_86, %add3A_88 : vector<1x128xf32>
    %jit3A_90 = arith.constant 0.000000e+00 : f32
    %broadcast_in_dim3A_91 = vector.broadcast %jit3A_90 : f32 to vector<1x128xf32>
    %select_n3A_92 = arith.select %gt3A_85, %add3A_89, %broadcast_in_dim3A_91 : vector<1x128xi1>, vector<1x128xf32>
    %dot_general3A_93 = arith.constant dense<0.000000e+00> : vector<1x128xf32>
    %dot_general3A_94 = tpu.matmul %select_n3A_92, %convert_element_type3A_33, %dot_general3A_93 {dimension_numbers = #tpu.dot_dimension_numbers<[1], [0], [0], [1], [0, 0, 1, 1], [], []>, transpose_lhs_hint = false} : vector<1x128xf32>, vector<128x128xf32>, vector<1x128xf32> -> vector<1x128xf32>
    %reduce_sum3A_95 = arith.constant dense<0.000000e+00> : vector<1xf32>
    %reduce_sum3A_96 = vector.multi_reduction <add>, %select_n3A_92, %reduce_sum3A_95 [1] : vector<1x128xf32> to vector<1xf32>
    %broadcast_in_dim3A_97 = vector.shape_cast %reduce_sum3A_96 : vector<1xf32> to vector<1x1xf32>
    %iota3A_98 = tpu.iota {dimensions = array<i32: 0>} : vector<16x1xi32>
    %convert_element_type3A_99 = arith.sitofp %iota3A_98 : vector<16x1xi32> to vector<16x1xf32>
    %lt3A_100 = arith.constant 4 : i32
    %lt3A_101 = vector.broadcast %lt3A_100 : i32 to vector<1x128xi32>
    %lt3A_102 = arith.cmpi slt, %iota3A, %lt3A_101 : vector<1x128xi32>
    %le3A = vector.broadcast %dot_general3A_94 : vector<1x128xf32> to vector<16x128xf32>
    %le3A_103 = vector.broadcast %convert_element_type3A_99 : vector<16x1xf32> to vector<16x128xf32>
    %le3A_104 = arith.cmpf ole, %le3A, %le3A_103 : vector<16x128xf32>
    %and3A_105 = vector.broadcast %lt3A_102 : vector<1x128xi1> to vector<16x128xi1>
    %and3A_106 = arith.andi %le3A_104, %and3A_105 : vector<16x128xi1>
    %convert_element_type3A_107 = arith.extui %and3A_106 : vector<16x128xi1> to vector<16x128xi32>
    %convert_element_type3A_108 = arith.sitofp %convert_element_type3A_107 : vector<16x128xi32> to vector<16x128xf32>
    %reduce_sum3A_109 = arith.constant dense<0.000000e+00> : vector<16xf32>
    %reduce_sum3A_110 = vector.multi_reduction <add>, %convert_element_type3A_108, %reduce_sum3A_109 [1] : vector<16x128xf32> to vector<16xf32>
    %broadcast_in_dim3A_111 = vector.shape_cast %reduce_sum3A_110 : vector<16xf32> to vector<16x1xf32>
    %sub3A_112 = arith.constant 1.000000e+00 : f32
    %sub3A_113 = vector.broadcast %sub3A_112 : f32 to vector<16x1xf32>
    %sub3A_114 = arith.subf %broadcast_in_dim3A_111, %sub3A_113 : vector<16x1xf32>
    %convert_element_type3A_115 = arith.sitofp %iota3A : vector<1x128xi32> to vector<1x128xf32>
    %eq3A_116 = vector.broadcast %sub3A_114 : vector<16x1xf32> to vector<16x128xf32>
    %eq3A_117 = vector.broadcast %convert_element_type3A_115 : vector<1x128xf32> to vector<16x128xf32>
    %eq3A_118 = arith.cmpf oeq, %eq3A_116, %eq3A_117 : vector<16x128xf32>
    %convert_element_type3A_119 = arith.extui %eq3A_118 : vector<16x128xi1> to vector<16x128xi32>
    %convert_element_type3A_120 = arith.sitofp %convert_element_type3A_119 : vector<16x128xi32> to vector<16x128xf32>
    %mul3A_121 = vector.broadcast %broadcast_in_dim3A_72 : vector<1x128xf32> to vector<16x128xf32>
    %mul3A_122 = arith.mulf %convert_element_type3A_120, %mul3A_121 : vector<16x128xf32>
    %reduce_sum3A_123 = arith.constant dense<0.000000e+00> : vector<16xf32>
    %reduce_sum3A_124 = vector.multi_reduction <add>, %mul3A_122, %reduce_sum3A_123 [1] : vector<16x128xf32> to vector<16xf32>
    %broadcast_in_dim3A_125 = vector.shape_cast %reduce_sum3A_124 : vector<16xf32> to vector<16x1xf32>
    %mul3A_126 = vector.broadcast %dot_general3A_94 : vector<1x128xf32> to vector<16x128xf32>
    %mul3A_127 = arith.mulf %convert_element_type3A_120, %mul3A_126 : vector<16x128xf32>
    %reduce_sum3A_128 = arith.constant dense<0.000000e+00> : vector<16xf32>
    %reduce_sum3A_129 = vector.multi_reduction <add>, %mul3A_127, %reduce_sum3A_128 [1] : vector<16x128xf32> to vector<16xf32>
    %broadcast_in_dim3A_130 = vector.shape_cast %reduce_sum3A_129 : vector<16xf32> to vector<16x1xf32>
    %add3A_131 = arith.addf %broadcast_in_dim3A_125, %convert_element_type3A_99 : vector<16x1xf32>
    %sub3A_132 = arith.subf %add3A_131, %broadcast_in_dim3A_130 : vector<16x1xf32>
    %jit3A_133 = arith.constant 0.000000e+00 : f32
    %jit3A_134 = arith.constant 6.000000e+00 : f32
    %max3A = vector.broadcast %jit3A_133 : f32 to vector<16x1xf32>
    %max3A_135 = arith.maximumf %max3A, %sub3A_132 : vector<16x1xf32>
    %min3A = vector.broadcast %jit3A_134 : f32 to vector<16x1xf32>
    %min3A_136 = arith.minimumf %min3A, %max3A_135 : vector<16x1xf32>
    %lt3A_137 = vector.broadcast %broadcast_in_dim3A_97 : vector<1x1xf32> to vector<16x1xf32>
    %lt3A_138 = arith.cmpf olt, %convert_element_type3A_99, %lt3A_137 : vector<16x1xf32>
    %convert_element_type3A_139 = arith.extui %lt3A_138 : vector<16x1xi1> to vector<16x1xi32>
    %convert_element_type3A_140 = arith.sitofp %convert_element_type3A_139 : vector<16x1xi32> to vector<16x1xf32>
    %sub3A_141 = arith.constant 1.000000e+00 : f32
    %sub3A_142 = vector.broadcast %sub3A_141 : f32 to vector<1x1xf32>
    %sub3A_143 = arith.subf %broadcast_in_dim3A_97, %sub3A_142 : vector<1x1xf32>
    %eq3A_144 = vector.broadcast %sub3A_143 : vector<1x1xf32> to vector<16x1xf32>
    %eq3A_145 = arith.cmpf oeq, %convert_element_type3A_99, %eq3A_144 : vector<16x1xf32>
    %jit3A_146 = arith.constant 0.000000e+00 : f32
    %broadcast_in_dim3A_147 = vector.broadcast %jit3A_146 : f32 to vector<16x1xf32>
    %select_n3A_148 = arith.select %eq3A_145, %sub3A_114, %broadcast_in_dim3A_147 : vector<16x1xi1>, vector<16x1xf32>
    %reduce_sum3A_149 = arith.constant dense<0.000000e+00> : vector<1xf32>
    %reduce_sum3A_150 = vector.multi_reduction <add>, %select_n3A_148, %reduce_sum3A_149 [0] : vector<16x1xf32> to vector<1xf32>
    %broadcast_in_dim3A_151 = vector.shape_cast %reduce_sum3A_150 : vector<1xf32> to vector<1x1xf32>
    %gt3A_152 = arith.constant 0.000000e+00 : f32
    %gt3A_153 = vector.broadcast %gt3A_152 : f32 to vector<16x1xf32>
    %gt3A_154 = arith.cmpf ogt, %convert_element_type3A_140, %gt3A_153 : vector<16x1xf32>
    %broadcast_in_dim3A_155 = vector.shape_cast %broadcast_in_dim3A_151 : vector<1x1xf32> to vector<1x1xf32>
    %broadcast_in_dim3A_156 = vector.broadcast %broadcast_in_dim3A_155 : vector<1x1xf32> to vector<16x1xf32>
    %select_n3A_157 = arith.select %gt3A_154, %sub3A_114, %broadcast_in_dim3A_156 : vector<16x1xi1>, vector<16x1xf32>
    %gt3A_158 = arith.constant 0.000000e+00 : f32
    %gt3A_159 = vector.broadcast %gt3A_158 : f32 to vector<16x1xf32>
    %gt3A_160 = arith.cmpf ogt, %convert_element_type3A_140, %gt3A_159 : vector<16x1xf32>
    %jit3A_161 = arith.constant 6.000000e+00 : f32
    %broadcast_in_dim3A_162 = vector.broadcast %jit3A_161 : f32 to vector<16x1xf32>
    %select_n3A_163 = arith.select %gt3A_160, %min3A_136, %broadcast_in_dim3A_162 : vector<16x1xi1>, vector<16x1xf32>
    %iota3A_164 = tpu.iota {dimensions = array<i32: 0>} : vector<16x128xi32>
    %iota3A_165 = tpu.iota {dimensions = array<i32: 1>} : vector<16x128xi32>
    %eq3A_166 = arith.cmpi eq, %iota3A_164, %iota3A_165 : vector<16x128xi32>
    %convert_element_type3A_167 = arith.extui %eq3A_166 : vector<16x128xi1> to vector<16x128xi32>
    %convert_element_type3A_168 = arith.sitofp %convert_element_type3A_167 : vector<16x128xi32> to vector<16x128xf32>
    %mul3A_169 = vector.broadcast %dot_general3A_35 : vector<1x128xf32> to vector<16x128xf32>
    %mul3A_170 = arith.mulf %convert_element_type3A_168, %mul3A_169 : vector<16x128xf32>
    %reduce_sum3A_171 = arith.constant dense<0.000000e+00> : vector<16xf32>
    %reduce_sum3A_172 = vector.multi_reduction <add>, %mul3A_170, %reduce_sum3A_171 [1] : vector<16x128xf32> to vector<16xf32>
    %broadcast_in_dim3A_173 = vector.shape_cast %reduce_sum3A_172 : vector<16xf32> to vector<16x1xf32>
    %broadcast_in_dim3A_174 = arith.constant 0.000000e+00 : f32
    %broadcast_in_dim3A_175 = vector.broadcast %broadcast_in_dim3A_174 : f32 to vector<16x4xf32>
    %concatenate3A = tpu.concatenate %select_n3A_163, %select_n3A_157, %convert_element_type3A_140, %broadcast_in_dim3A_173, %broadcast_in_dim3A_175 in 1 : vector<16x1xf32>, vector<16x1xf32>, vector<16x1xf32>, vector<16x1xf32>, vector<16x4xf32> -> vector<16x8xf32>
    %convert_element_type3A_176 = arith.fptosi %concatenate3A : vector<16x8xf32> to vector<16x8xi32>
    %swap3A_177 = arith.constant 0 : index
    %swap3A_178 = arith.constant 0 : index
    %swap3A_179 = vector.load %arg1[%swap3A_177, %swap3A_178] : memref<16x8xi32, #tpu.memory_space<vmem>>, vector<16x8xi32>
    tpu.vector_store %arg1[%swap3A_177, %swap3A_178], %convert_element_type3A_176 {strides = array<i32>} : memref<16x8xi32, #tpu.memory_space<vmem>>, vector<16x8xi32>,
    return
  }
}

</mosaic_0001>

<sc_bundles>
// kernel: kernel.5.cloned.1.call-start
scs
__scs_entry_jumppad:
0x0: {  	(pc) =	sbr.rel $0x88, $3  }
0x1: {  	(tag) =	ssettag $0x0;
	lr =	simm.s32 $0x1  }
0x2: {  	[smem:$0x3F9F] =	sst lr;
	_ =	strace $0xD0000000  }
0x3: {  	_ = 	snop  }
0x4: {  	_ = 	snop  }
0x5: {  	_ = 	snop  }
0x6: {  	_ = 	snop  }
0x7: {  	_ = 	snop  }
__scs_overlays_trampoline_lowered:
0x8: {  	[smem:$0x3FAE] =	sst s0  }
0x9: {  	[smem:$0x3FAF] =	sst s1  }
0xa: {  	[smem:$0x3FB0] =	sst s2  }
0xb: {  	[smem:$0x3FB1] =	sst s3  }
0xc: {  	[smem:$0x3FB2] =	sst s4  }
0xd: {  	[smem:$0x3FB3] =	sst s5  }
0xe: {  	[smem:$0x3FB4] =	sst s6  }
0xf: {  	[smem:$0x3FB5] =	sst s7  }
0x10: {  	[smem:$0x3FB6] =	sst s8  }
0x11: {  	[smem:$0x3FB7] =	sst s9;
	s0 =	simm.s32 @!p0 $0x0  }
0x12: {  	s1 =	sld [smem:$0x3F9D];
	s0 =	simm.s32 @p0 $0x1  }
0x13: {  	[smem:$0x3FB8] =	sst s0;
	s0 =	simm.s32 @!p1 $0x0  }
0x14: {  	s2 =	sld [smem:$0x3F9C];
	s0 =	simm.s32 @p1 $0x1  }
0x15: {  	[smem:$0x3FB9] =	sst s0;
	s0 =	simm.s32 @!p2 $0x0  }
0x16: {  	s3 =	sld [smem:$0x3FDB];
	s0 =	simm.s32 @p2 $0x1  }
0x17: {  	s4 =	simm.s32 $0x1BF5;
	[smem:$0x3FBB] =	sst s0  }
0x18: {  	s0 =	sld [smem:$0x3F9E];
	_ =	swait.ge [sflag:s4], $0x0  }
0x19: {  	s7 =	sld [smem:$0x3F9F]  }
0x1a: {  	s8 =	sadd.s32 $0xFFFFE003, lr  }
0x1b: {  	s9 =	sadd.s32 $0xFFFFFEF7, lr;
	s5 =	simm.s32 $0xFFFFFFFF;
	p2 =	slt.u32 s8, $0xFFFFF086  }
0x1c: {  	p1 =	slt.u32 s9, $0xF7A;
	s5 =	simm.s32 @!p2 $0x0  }
0x1d: {  	s5 =	simm.s32 @p1 $0x1;
	p0 =	seq.s32 s7, s2  }
0x1e: {  	s7 =	smul.u32 @!p0 $0xF7A, s2;
	p2 =	seq.s32 @!p0 s5, $0x0  }
0x1f: {  	s9 =	smul.u32 $0xF7A, s1;
	s8 =	simm.s32 @!p0 $0x1BF5;
	p2 =	por !p2, p0  }
0x20: {  	[sflag:s8] =	ssyncset.s32 @!p0 $0xFFFFF086;
	s6 =	sadd.s32 @!p0 s3, s7;
	s7 =	simm.s32 @!p0 $0x108  }
0x21: {  	s3 =	sadd.s32 s3, s9;
	s6 =	sadd.s32 @!p0 $0x88, s6;
	s7 =	simm.s32 @p2 $0x1082  }
0x22: {  	[simem:s7], [sflag:s8] =	dma.local @!p0 [hbm:s6], $0xF7A  }
0x23: {  	s9 =	sor.u32 $0xD0000000, s2;
	s6 =	simm.s32 $0x108;
	_ =	swait.ge @!p0 [sflag:s8], $0x0  }
0x24: {  	s3 =	sadd.s32 $0x88, s3;
	s6 =	simm.s32 @!p1 $0x1082;
	[sflag:s4] =	ssyncset.s32 $0xFFFFF086  }
0x25: {  	[simem:s6], [sflag:s4] =	dma.local [hbm:s3], $0xF7A  }
0x26: {  	[smem:$0x3F9F] =	sst s1;
	(tag) =	ssettag s2;
	_ =	strace s9  }
0x27: {  	s1 =	sld [smem:$0x3FAF]  }
0x28: {  	s2 =	sld [smem:$0x3FB0]  }
0x29: {  	s4 =	sld [smem:$0x3FB2]  }
0x2a: {  	p0 =	seq.s32 s5, $0x0;
	s5 =	sld [smem:$0x3FB3]  }
0x2b: {  	s6 =	sld [smem:$0x3FB4]  }
0x2c: {  	s7 =	sld [smem:$0x3FB5]  }
0x2d: {  	s3 =	simm.s32 $0x108;
	s8 =	sld [smem:$0x3FB6]  }
0x2e: {  	s3 =	simm.s32 @!p0 $0x1082;
	s9 =	sld [smem:$0x3FB7]  }
0x2f: {  	lr =	sadd.s32 s0, s3;
	s0 =	sld [smem:$0x3FAE]  }
0x30: {  	s3 =	sld [smem:$0x3FB1]  }
0x31: {  	[smem:$0x3FBA] =	sst s10  }
0x32: {  	s10 =	sld [smem:$0x3FB8];
	_ =	sdelay $0x3  }
0x33: {  	p0 =	seq.s32 s10, $0x1;
	s10 =	sld [smem:$0x3FBA];
	_ =	sdelay $0x3  }
0x34: {  	[smem:$0x3FBA] =	sst s10  }
0x35: {  	s10 =	sld [smem:$0x3FB9];
	_ =	sdelay $0x3  }
0x36: {  	p1 =	seq.s32 s10, $0x1;
	s10 =	sld [smem:$0x3FBA];
	_ =	sdelay $0x3  }
0x37: {  	[smem:$0x3FBA] =	sst s10  }
0x38: {  	s10 =	sld [smem:$0x3FBB]  }
0x39: {  	_ = 	snop;
	(pc) =	sbr.ind lr, $3  }
0x3a: {  	_ = 	snop  }
0x3b: {  	_ = 	snop  }
0x3c: {  	p2 =	seq.s32 s10, $0x1;
	s10 =	sld [smem:$0x3FBA]  }
0x3d: {  	_ =	shalt  }
0x3e: {  	_ =	shalt  }
0x3f: {  	_ =	shalt  }
0x40: {  	_ =	shalt  }
0x41: {  	_ =	shalt  }
0x42: {  	_ =	shalt  }
0x43: {  	_ =	shalt  }
0x44: {  	_ =	shalt  }
0x45: {  	_ =	shalt  }
0x46: {  	_ =	shalt  }
0x47: {  	_ =	shalt  }
0x48: {  	_ =	shalt  }
0x49: {  	_ =	shalt  }
0x4a: {  	_ =	shalt  }
0x4b: {  	_ =	shalt  }
0x4c: {  	_ =	shalt  }
0x4d: {  	_ =	shalt  }
0x4e: {  	_ =	shalt  }
0x4f: {  	_ =	shalt  }
0x50: {  	_ =	shalt  }
0x51: {  	_ =	shalt  }
0x52: {  	_ =	shalt  }
0x53: {  	_ =	shalt  }
0x54: {  	_ =	shalt  }
0x55: {  	_ =	shalt  }
0x56: {  	_ =	shalt  }
0x57: {  	_ =	shalt  }
0x58: {  	_ =	shalt  }
0x59: {  	_ =	shalt  }
0x5a: {  	_ =	shalt  }
0x5b: {  	_ =	shalt  }
0x5c: {  	_ =	shalt  }
0x5d: {  	_ =	shalt  }
0x5e: {  	_ =	shalt  }
0x5f: {  	_ =	shalt  }
0x60: {  	_ =	shalt  }
0x61: {  	_ =	shalt  }
0x62: {  	_ =	shalt  }
0x63: {  	_ =	shalt  }
0x64: {  	_ =	shalt  }
0x65: {  	_ =	shalt  }
0x66: {  	_ =	shalt  }
0x67: {  	_ =	shalt  }
0x68: {  	_ =	shalt  }
0x69: {  	_ =	shalt  }
0x6a: {  	_ =	shalt  }
0x6b: {  	_ =	shalt  }
0x6c: {  	_ =	shalt  }
0x6d: {  	_ =	shalt  }
0x6e: {  	_ =	shalt  }
0x6f: {  	_ =	shalt  }
0x70: {  	_ =	shalt  }
0x71: {  	_ =	shalt  }
0x72: {  	_ =	shalt  }
0x73: {  	_ =	shalt  }
0x74: {  	_ =	shalt  }
0x75: {  	_ =	shalt  }
0x76: {  	_ =	shalt  }
0x77: {  	_ =	shalt  }
0x78: {  	_ =	shalt  }
0x79: {  	_ =	shalt  }
0x7a: {  	_ =	shalt  }
0x7b: {  	_ =	shalt  }
0x7c: {  	_ =	shalt  }
0x7d: {  	_ =	shalt  }
0x7e: {  	_ =	shalt  }
0x7f: {  	_ =	shalt  }
0x80: {  	_ =	shalt  }
0x81: {  	_ =	shalt  }
0x82: {  	_ =	shalt  }
0x83: {  	_ =	shalt  }
0x84: {  	_ =	shalt  }
0x85: {  	_ =	shalt  }
0x86: {  	_ =	shalt  }
0x87: {  	_ =	shalt  }
.Lfunc_end0:
.L_simem_size_0:
called_computation_lowered:
.L_overlay_start_0:
0x88: {  	s2 =	sld [smem:$0x3FD9]  }
0x89: {  	s3 =	sld [smem:$0x3FFE];
	_ =	sdelay $0x1  }
0x8a: {  	s1 =	srdreg.scid  }
0x8b: {  	s0 =	sand.u32 $0x1, s1  }
0x8c: {  	s17 =	sshll.u32 s0, $0xA;
	s2 =	sadd.s32 s3, s2  }
0x8d: {  	s2 =	sadd.s32 s2, s17  }
0x8e: {  	[smem:$0x3FC6] =	sst s2  }
0x8f: {  	_ = 	snop  }
0x90: {  	s2 =	sld [smem:$0x3FD0];
	(tm) =	ssettm $0x1  }
0x91: {  	s18 =	sld [smem:$0x3FFB];
	_ =	sdelay $0x3  }
0x92: {  	_ =	strace s18  }
0x93: {  	s3 =	sld [smem:$0x3FFC];
	_ =	sdelay $0x3  }
0x94: {  	_ =	strace s3  }
0x95: {  	s3 =	sld [smem:$0x3FFD];
	_ =	sdelay $0x3  }
0x96: {  	_ =	strace s3  }
0x97: {  	_ =	strace $0x8FFFFFFF  }
0x98: {  	s19 =	sld [smem:$0x3FDB];
	_ =	sdelay $0x1  }
0x99: {  	s4 =	simm.s32 $_scs_section_size  }
0x9a: {  	s5 =	simm.s32 $_size__tile_overlayer_lowered;
	s6 =	simm.s32 $_tile_overlayer_lowered  }
0x9b: {  	s22 =	simm.s32 $0x1BFF;
	s21 =	sshll.u32 s6, $0x1;
	s3 =	sadd.s32 s4, s19  }
0x9c: {  	s7 =	simm.s32 $0x0;
	s20 =	sshll.u32 s5, $0x1;
	s5 =	sadd.s32 s21, s3  }
0x9d: {  	[timem:s7], [sflag:s22] =	dma.local [hbm:s5], s20  }
0x9e: {  	_ =	swait.ge [sflag:s22], s20  }
0x9f: {  	s4 =	ssub.s32 $0x0, s20;
	[sflag:s22] =	ssyncset.done $0x0  }
0xa0: {  	[sflag:s22] =	ssyncadd.s32 s4;
	_ =	sdelay $0x1  }
0xa1: {  	s23 =	simm.s32 $0x1B8B  }
0xa2: {  	_ =	swait.ge [sflag:s23], $0x1  }
0xa3: {  	[sflag:s23] =	ssyncset.done $0x0  }
0xa4: {  	s25 =	simm.s32 $0x1B8E;
	s24 =	sld [smem:$0x3FFE];
	[sflag:s23] =	ssyncadd.s32 $0xFFFFFFFF  }
0xa5: {  	s26 =	simm.s32 $execute0_lowered;
	[smem:$0x3FD2] =	sst s25  }
0xa6: {  	s5 =	sshll.u32 s26, $0x1;
	_ =	strace $0x80000046;
	[dreg:$0x1] =	wrdreg $0xFFFFFFFF  }
0xa7: {  	s28 =	simm.s32 $_size_execute0_lowered;
	s3 =	sadd.s32 s3, s5;
	[dreg:$0x0] =	wrdreg $0x0  }
0xa8: {  	s5 =	sshll.u32 s28, $0x1;
	[dreg:$0x2] =	wrdreg s3  }
0xa9: {  	[dreg:$0x3] =	wrdreg s5  }
0xaa: {  	[dreg:$0x4] =	wrdreg $0xC0  }
0xab: {  	_ =	task [dreg:s7], $0x5FFFF  }
0xac: {  	[dreg:$0x1] =	wrdreg $0xFFFFFFFF  }
0xad: {  	[dreg:$0x0] =	wrdreg $0x60  }
0xae: {  	[dreg:$0x2] =	wrdreg s2  }
0xaf: {  	[dreg:$0x3] =	wrdreg s24  }
0xb0: {  	[dreg:$0x4] =	wrdreg $0x9  }
0xb1: {  	_ =	task.clear_ibuf [dreg:s7], $0x5FFFF;
	_ =	strace $0x90000046  }
0xb2: {  	s29 =	simm.s32 $0x9;
	_ =	strace $0x80000048  }
0xb3: {  	_ =	swait.ge [sflag:s29], $0x1  }
0xb4: {  	[sflag:s29] =	ssyncadd.s32 $0xFFFFFFFF  }
0xb5: {  	_ =	strace $0x90000048  }
0xb6: {  	_ =	sfence  }
0xb7: {  	s30 =	sld [smem:$0x0];
	_ =	sdelay $0x2  }
0xb8: {  	s31 =	sshll.u32 s1, $0xD;
	s1 =	sshrl.u32 s1, $0x2  }
0xb9: {  	s3 =	sand.u32 $0x4000, s31;
	s1 =	sadd.s32 s1, s30  }
0xba: {  	s0 =	sor.u32 s3, s0;
	s1 =	sshll.u32 s1, $0x11  }
0xbb: {  	s0 =	sor.u32 s1, s0  }
0xbc: {  	s0 =	sadd.s32 $0x8F2B, s0  }
0xbd: {  	[sflag:s0] =	ssyncadd.remote.s32 $0x1  }
0xbe: {  	_ =	sfence.sel $0xFFFF  }
0xbf: {  	[dreg:$0x0] =	wrdreg $0xFFFFFFFF;
	(pc) =	sbr.abs _section_cstart, $3  }
0xc0: {  	[dreg:$0x1] =	wrdreg $0xFFFFFFFF  }
0xc1: {  	_ =	task.clear_ibuf [dreg:s7], $0x2FFFF;
	_ =	strace $0x9FFFFFFF  }
0xc2: {  	(tm) =	ssettm $0x7FFFFFFF  }
0xc3: {  	_ =	shalt  }
tec
execute0_lowered:
.L_overlay_start_1:
0x0: {  	(tag) =	ssettag $0x1  }
0x1: {  	s1 =	stileid.u32  }
0x2: {  	p0 =	sgt.u32 s1, $0xD  }
.Ltmp0:
0x3: {  	_ = 	snop;
	(pc) =	sbr.rel @p0 .LBB2_3-.Ltmp0, $4  }
0x4: {  	s2 =	rddreg [dreg:$0x0]  }
0x5: {  	s6 =	rddreg [dreg:$0x1];
	s3 =	simm.s32 $0x0  }
0x6: {  	[smem:$0x7FF] =	sst s3  }
0x7: {  	s0 =	rddreg [dreg:$0x2];
	_ =	strace $0x80000047  }
0x8: {  	s4 =	srdreg.scid;
	s5 =	sshll.u32 s1, $0x1;
	s11 =	simm.s32 $0xC80  }
0x9: {  	s12 =	simm.s32 $0x1480;
	s13 =	simm.s32 $0x1880;
	s14 =	simm.s32 $0x2080  }
0xa: {  	s15 =	simm.s32 $0x2480;
	s16 =	simm.s32 $0x2C80;
	s17 =	simm.s32 $0x3080  }
0xb: {  	s18 =	simm.s32 $0x3880;
	s19 =	simm.s32 $0x3C80;
	s4 =	sand.u32 $0x1, s4  }
0xc: {  	s20 =	simm.s32 $0x4480;
	s21 =	simm.s32 $0x4880;
	s5 =	sor.u32 s4, s5  }
0xd: {  	s22 =	simm.s32 $0x5080;
	s8 =	ssub.s32 $0x2, s4;
	s7 =	smul.u32 $0xA80, s5  }
0xe: {  	s23 =	simm.s32 $0x1;
	s9 =	sshrl.u32 s8, $0x1;
	s10 =	smul.u32 $0x7, s5  }
0xf: {  	v2 =	vlaneseq.u32;
	s4 =	sadd.s32 $0x100, s2;
	s31 =	ssub.s32 s8, s9;
	s8 =	simm.s32 $0x2  }
0x10: {  	vm0 =	vmmov $0xffff;
	vm1 =	vmmov $0xff;
	v1 =	vshrl.u32 v2, $0x3;
	s9 =	simm.s32 $0x80;
	s7 =	sadd.s32 s7, s6;
	s6 =	sadd.s32 s6, s10  }
0x11: {  	v0 =	vand.u32 $0x7, v2;
	v2 =	vor.u32 $0x8, v2;
	v1 =	vmul.u32 $0x8, v1;
	s10 =	simm.s32 $0x880;
	s5 =	sadd.s32 $0x200, s7;
	s7 =	smax.u32 s31, $0x1  }
.LBB2_2:
0x12: {  	[tilespmem:s3], [sflag:$0x2] =	stream.linear.gather [hbm4b:s6+s3], $0x38, $0x38;
	[tilespmem:$0x5480] =	vst v63  }
0x13: {  	_ =	swait.ge [sflag:s8], $0x38  }
0x14: {  	[sflag:s8] =	ssyncset.done $0x0  }
0x15: {  	[sflag:s8] =	ssyncadd.s32 $0xFFFFFFC8  }
0x16: {  	v3 =	vld [tilespmem:$0x0];
	_ =	sdelay $0x4  }
0x17: {  	v4 =	vshrl.u32 v3, $0x3  }
0x18: {  	v4 =	vmul.u32 $0x18, v4  }
0x19: {  	v3 =	vand.u32 $0x7, v3  }
0x1a: {  	v3 =	vor.u32 v3, v4  }
0x1b: {  	v4 =	vperm.xlane v3, v0;
	_ =	sdelay $0x1  }
0x1c: {  	v4 =	vadd.s32 v1, v4;
	_ =	sdelay $0x1  }
0x1d: {  	v3 =	vperm.xlane v3, v2;
	_ =	sdelay $0x1  }
0x1e: {  	v3 =	vadd.s32 v1, v3  }
0x1f: {  	[tilespmem:s9], [sflag:$0x1] =	stream.indirect_vreg.gather [hbm4b:s2+s3], $0x80, v4, vm0, $0xb8;
	[tilespmem:$0x5480] =	vst v63  }
0x20: {  	_ = 	snop  }
0x21: {  	[tilespmem:s10], [sflag:$0x1] =	stream.indirect_vreg.gather [hbm4b:s4+s3], $0x80, v4, vm1, $0xb8;
	[tilespmem:$0x5480] =	vst v63  }
0x22: {  	_ = 	snop  }
0x23: {  	[tilespmem:s11], [sflag:$0x1] =	stream.indirect_vreg.gather [hbm4b:s2+s3], $0x80, v3, vm0, $0xb8;
	[tilespmem:$0x5480] =	vst v63  }
0x24: {  	_ = 	snop  }
0x25: {  	[tilespmem:s12], [sflag:$0x1] =	stream.indirect_vreg.gather [hbm4b:s4+s3], $0x80, v3, vm1, $0xb8;
	[tilespmem:$0x5480] =	vst v63  }
0x26: {  	v3 =	vld [tilespmem:$0x10];
	_ =	sdelay $0x4  }
0x27: {  	v61 =	vshrl.u32 v3, $0x3  }
0x28: {  	v4 =	vmul.u32 $0x18, v61  }
0x29: {  	v3 =	vand.u32 $0x7, v3  }
0x2a: {  	v3 =	vor.u32 v3, v4  }
0x2b: {  	v4 =	vperm.xlane v3, v0;
	_ =	sdelay $0x1  }
0x2c: {  	v4 =	vadd.s32 v1, v4;
	_ =	sdelay $0x1  }
0x2d: {  	v3 =	vperm.xlane v3, v2;
	_ =	sdelay $0x1  }
0x2e: {  	v3 =	vadd.s32 v1, v3  }
0x2f: {  	[tilespmem:s13], [sflag:$0x1] =	stream.indirect_vreg.gather [hbm4b:s2+s3], $0x80, v4, vm0, $0xb8;
	[tilespmem:$0x5480] =	vst v63  }
0x30: {  	_ = 	snop  }
0x31: {  	[tilespmem:s14], [sflag:$0x1] =	stream.indirect_vreg.gather [hbm4b:s4+s3], $0x80, v4, vm1, $0xb8;
	[tilespmem:$0x5480] =	vst v63  }
0x32: {  	_ = 	snop  }
0x33: {  	[tilespmem:s15], [sflag:$0x1] =	stream.indirect_vreg.gather [hbm4b:s2+s3], $0x80, v3, vm0, $0xb8;
	[tilespmem:$0x5480] =	vst v63  }
0x34: {  	_ = 	snop  }
0x35: {  	[tilespmem:s16], [sflag:$0x1] =	stream.indirect_vreg.gather [hbm4b:s4+s3], $0x80, v3, vm1, $0xb8;
	[tilespmem:$0x5480] =	vst v63  }
0x36: {  	v3 =	vld [tilespmem:$0x20];
	_ =	sdelay $0x4  }
0x37: {  	v62 =	vshrl.u32 v3, $0x3  }
0x38: {  	v4 =	vmul.u32 $0x18, v62  }
0x39: {  	v3 =	vand.u32 $0x7, v3  }
0x3a: {  	v3 =	vor.u32 v3, v4  }
0x3b: {  	v4 =	vperm.xlane v3, v0;
	_ =	sdelay $0x1  }
0x3c: {  	v4 =	vadd.s32 v1, v4;
	_ =	sdelay $0x1  }
0x3d: {  	v3 =	vperm.xlane v3, v2;
	_ =	sdelay $0x1  }
0x3e: {  	v3 =	vadd.s32 v1, v3  }
0x3f: {  	[tilespmem:s17], [sflag:$0x1] =	stream.indirect_vreg.gather [hbm4b:s2+s3], $0x80, v4, vm0, $0xb8;
	[tilespmem:$0x5480] =	vst v63  }
0x40: {  	_ = 	snop  }
0x41: {  	[tilespmem:s18], [sflag:$0x1] =	stream.indirect_vreg.gather [hbm4b:s4+s3], $0x80, v4, vm1, $0xb8;
	[tilespmem:$0x5480] =	vst v63  }
0x42: {  	_ = 	snop  }
0x43: {  	[tilespmem:s19], [sflag:$0x1] =	stream.indirect_vreg.gather [hbm4b:s2+s3], $0x80, v3, vm0, $0xb8;
	[tilespmem:$0x5480] =	vst v63  }
0x44: {  	_ = 	snop  }
0x45: {  	[tilespmem:s20], [sflag:$0x1] =	stream.indirect_vreg.gather [hbm4b:s4+s3], $0x80, v3, vm1, $0xb8;
	[tilespmem:$0x5480] =	vst v63  }
0x46: {  	v3 =	vld.msk [tilespmem:$0x30], $0xff;
	_ =	sdelay $0x4  }
0x47: {  	v63 =	vshrl.u32 v3, $0x3  }
0x48: {  	v4 =	vmul.u32 $0x18, v63  }
0x49: {  	v3 =	vand.u32 $0x7, v3  }
0x4a: {  	v3 =	vor.u32 v3, v4  }
0x4b: {  	v3 =	vperm.xlane v3, v0;
	_ =	sdelay $0x1  }
0x4c: {  	v3 =	vadd.s32 v1, v3;
	_ =	sdelay $0x4  }
0x4d: {  	[tilespmem:s21], [sflag:$0x1] =	stream.indirect_vreg.gather [hbm4b:s2+s3], $0x80, v3, vm0, $0xb8;
	[tilespmem:$0x5480] =	vst v63  }
0x4e: {  	_ = 	snop  }
0x4f: {  	[tilespmem:s22], [sflag:$0x1] =	stream.indirect_vreg.gather [hbm4b:s4+s3], $0x80, v3, vm1, $0xb8;
	[tilespmem:$0x5480] =	vst v63  }
0x50: {  	_ =	swait.ge [sflag:s23], $0x5400  }
0x51: {  	p0 =	sne.s32 s7, $0x1;
	[sflag:s23] =	ssyncset.done $0x0  }
.Ltmp1:
0x52: {  	[sflag:s23] =	ssyncadd.s32 $0xFFFFAC00;
	(pc) =	sbr.rel @p0 .LBB2_2-.Ltmp1, $4  }
0x53: {  	[hbm4b:s5+s3] =	stream.linear.scatter [tilespmem:s9], [sflag:$0x2], $0x5400, $0x38;
	[tilespmem:$0x5480] =	vst v63  }
0x54: {  	_ =	swait.ge [sflag:s8], $0x5400  }
0x55: {  	[sflag:s8] =	ssyncset.done $0x0  }
0x56: {  	s7 =	sadd.s32 $0xFFFFFFFF, s7;
	[sflag:s8] =	ssyncadd.s32 $0xFFFFAC00  }
.LBB2_3:
0x57: {  	_ =	sfence.sel $0x180000  }
0x58: {  	[bflag:$0x0] =	sbarrier.arrive $0xFFFF  }
0x59: {  	p0 =	sne.s32 s1, $0x0;
	_ =	strace $0x90000047  }
0x5a: {  	s0 =	sadd.s32 @!p0 $0x100000, s0;
	[bflag:$0x2] =	sbarrier.arrive $0xFFFF  }
0x5b: {  	[sflag:s0] =	ssyncadd.tile.s32 @!p0 $0x1;
	_ =	shalt  }
.Lfunc_end2:
_tile_overlayer_lowered:
.L_overlay_start_2:
0x5c: {  	(tag) =	ssettag $0x2  }
0x5d: {  	s0 =	rddreg [dreg:$0x0];
	s2 =	stileid.u32  }
0x5e: {  	s1 =	rddreg [dreg:$0x1];
	p0 =	sne.s32 s2, $0x0  }
0x5f: {  	s3 =	rddreg [dreg:$0x2];
	[bflag:$0x3] =	sbarrier.arrive $0xFFFF;
	s2 =	simm.s32 @!p0 $0x1C02  }
0x60: {  	[timem:s3], [sflag:s2] =	dma.local @!p0 [hbm:s0], s1  }
0x61: {  	s0 =	simm.s32 @!p0 $0x2  }
0x62: {  	_ =	swait.ge @!p0 [sflag:s0], s1  }
0x63: {  	s1 =	ssub.s32 @!p0 $0x0, s1;
	[sflag:s0] =	ssyncset.done @!p0 $0x0  }
0x64: {  	[sflag:s0] =	ssyncadd.s32 @!p0 s1  }
0x65: {  	[bflag:$0x3] =	sbarrier.arrive $0xFFFF  }
0x66: {  	_ =	shalt  }

// kernel: kernel.8.cloned.1.call-start
scs
__scs_entry_jumppad:
0x0: {  	(pc) =	sbr.rel $0x88, $3  }
0x1: {  	(tag) =	ssettag $0x0;
	lr =	simm.s32 $0x1  }
0x2: {  	[smem:$0x3F9F] =	sst lr;
	_ =	strace $0xD0000000  }
0x3: {  	_ = 	snop  }
0x4: {  	_ = 	snop  }
0x5: {  	_ = 	snop  }
0x6: {  	_ = 	snop  }
0x7: {  	_ = 	snop  }
__scs_overlays_trampoline_lowered:
0x8: {  	[smem:$0x3FAE] =	sst s0  }
0x9: {  	[smem:$0x3FAF] =	sst s1  }
0xa: {  	[smem:$0x3FB0] =	sst s2  }
0xb: {  	[smem:$0x3FB1] =	sst s3  }
0xc: {  	[smem:$0x3FB2] =	sst s4  }
0xd: {  	[smem:$0x3FB3] =	sst s5  }
0xe: {  	[smem:$0x3FB4] =	sst s6  }
0xf: {  	[smem:$0x3FB5] =	sst s7  }
0x10: {  	[smem:$0x3FB6] =	sst s8  }
0x11: {  	[smem:$0x3FB7] =	sst s9;
	s0 =	simm.s32 @!p0 $0x0  }
0x12: {  	s1 =	sld [smem:$0x3F9D];
	s0 =	simm.s32 @p0 $0x1  }
0x13: {  	[smem:$0x3FB8] =	sst s0;
	s0 =	simm.s32 @!p1 $0x0  }
0x14: {  	s2 =	sld [smem:$0x3F9C];
	s0 =	simm.s32 @p1 $0x1  }
0x15: {  	[smem:$0x3FB9] =	sst s0;
	s0 =	simm.s32 @!p2 $0x0  }
0x16: {  	s3 =	sld [smem:$0x3FDB];
	s0 =	simm.s32 @p2 $0x1  }
0x17: {  	s4 =	simm.s32 $0x1BF5;
	[smem:$0x3FBB] =	sst s0  }
0x18: {  	s0 =	sld [smem:$0x3F9E];
	_ =	swait.ge [sflag:s4], $0x0  }
0x19: {  	s7 =	sld [smem:$0x3F9F]  }
0x1a: {  	s8 =	sadd.s32 $0xFFFFE003, lr  }
0x1b: {  	s9 =	sadd.s32 $0xFFFFFEF7, lr;
	s5 =	simm.s32 $0xFFFFFFFF;
	p2 =	slt.u32 s8, $0xFFFFF086  }
0x1c: {  	p1 =	slt.u32 s9, $0xF7A;
	s5 =	simm.s32 @!p2 $0x0  }
0x1d: {  	s5 =	simm.s32 @p1 $0x1;
	p0 =	seq.s32 s7, s2  }
0x1e: {  	s7 =	smul.u32 @!p0 $0xF7A, s2;
	p2 =	seq.s32 @!p0 s5, $0x0  }
0x1f: {  	s9 =	smul.u32 $0xF7A, s1;
	s8 =	simm.s32 @!p0 $0x1BF5;
	p2 =	por !p2, p0  }
0x20: {  	[sflag:s8] =	ssyncset.s32 @!p0 $0xFFFFF086;
	s6 =	sadd.s32 @!p0 s3, s7;
	s7 =	simm.s32 @!p0 $0x108  }
0x21: {  	s3 =	sadd.s32 s3, s9;
	s6 =	sadd.s32 @!p0 $0x88, s6;
	s7 =	simm.s32 @p2 $0x1082  }
0x22: {  	[simem:s7], [sflag:s8] =	dma.local @!p0 [hbm:s6], $0xF7A  }
0x23: {  	s9 =	sor.u32 $0xD0000000, s2;
	s6 =	simm.s32 $0x108;
	_ =	swait.ge @!p0 [sflag:s8], $0x0  }
0x24: {  	s3 =	sadd.s32 $0x88, s3;
	s6 =	simm.s32 @!p1 $0x1082;
	[sflag:s4] =	ssyncset.s32 $0xFFFFF086  }
0x25: {  	[simem:s6], [sflag:s4] =	dma.local [hbm:s3], $0xF7A  }
0x26: {  	[smem:$0x3F9F] =	sst s1;
	(tag) =	ssettag s2;
	_ =	strace s9  }
0x27: {  	s1 =	sld [smem:$0x3FAF]  }
0x28: {  	s2 =	sld [smem:$0x3FB0]  }
0x29: {  	s4 =	sld [smem:$0x3FB2]  }
0x2a: {  	p0 =	seq.s32 s5, $0x0;
	s5 =	sld [smem:$0x3FB3]  }
0x2b: {  	s6 =	sld [smem:$0x3FB4]  }
0x2c: {  	s7 =	sld [smem:$0x3FB5]  }
0x2d: {  	s3 =	simm.s32 $0x108;
	s8 =	sld [smem:$0x3FB6]  }
0x2e: {  	s3 =	simm.s32 @!p0 $0x1082;
	s9 =	sld [smem:$0x3FB7]  }
0x2f: {  	lr =	sadd.s32 s0, s3;
	s0 =	sld [smem:$0x3FAE]  }
0x30: {  	s3 =	sld [smem:$0x3FB1]  }
0x31: {  	[smem:$0x3FBA] =	sst s10  }
0x32: {  	s10 =	sld [smem:$0x3FB8];
	_ =	sdelay $0x3  }
0x33: {  	p0 =	seq.s32 s10, $0x1;
	s10 =	sld [smem:$0x3FBA];
	_ =	sdelay $0x3  }
0x34: {  	[smem:$0x3FBA] =	sst s10  }
0x35: {  	s10 =	sld [smem:$0x3FB9];
	_ =	sdelay $0x3  }
0x36: {  	p1 =	seq.s32 s10, $0x1;
	s10 =	sld [smem:$0x3FBA];
	_ =	sdelay $0x3  }
0x37: {  	[smem:$0x3FBA] =	sst s10  }
0x38: {  	s10 =	sld [smem:$0x3FBB]  }
0x39: {  	_ = 	snop;
	(pc) =	sbr.ind lr, $3  }
0x3a: {  	_ = 	snop  }
0x3b: {  	_ = 	snop  }
0x3c: {  	p2 =	seq.s32 s10, $0x1;
	s10 =	sld [smem:$0x3FBA]  }
0x3d: {  	_ =	shalt  }
0x3e: {  	_ =	shalt  }
0x3f: {  	_ =	shalt  }
0x40: {  	_ =	shalt  }
0x41: {  	_ =	shalt  }
0x42: {  	_ =	shalt  }
0x43: {  	_ =	shalt  }
0x44: {  	_ =	shalt  }
0x45: {  	_ =	shalt  }
0x46: {  	_ =	shalt  }
0x47: {  	_ =	shalt  }
0x48: {  	_ =	shalt  }
0x49: {  	_ =	shalt  }
0x4a: {  	_ =	shalt  }
0x4b: {  	_ =	shalt  }
0x4c: {  	_ =	shalt  }
0x4d: {  	_ =	shalt  }
0x4e: {  	_ =	shalt  }
0x4f: {  	_ =	shalt  }
0x50: {  	_ =	shalt  }
0x51: {  	_ =	shalt  }
0x52: {  	_ =	shalt  }
0x53: {  	_ =	shalt  }
0x54: {  	_ =	shalt  }
0x55: {  	_ =	shalt  }
0x56: {  	_ =	shalt  }
0x57: {  	_ =	shalt  }
0x58: {  	_ =	shalt  }
0x59: {  	_ =	shalt  }
0x5a: {  	_ =	shalt  }
0x5b: {  	_ =	shalt  }
0x5c: {  	_ =	shalt  }
0x5d: {  	_ =	shalt  }
0x5e: {  	_ =	shalt  }
0x5f: {  	_ =	shalt  }
0x60: {  	_ =	shalt  }
0x61: {  	_ =	shalt  }
0x62: {  	_ =	shalt  }
0x63: {  	_ =	shalt  }
0x64: {  	_ =	shalt  }
0x65: {  	_ =	shalt  }
0x66: {  	_ =	shalt  }
0x67: {  	_ =	shalt  }
0x68: {  	_ =	shalt  }
0x69: {  	_ =	shalt  }
0x6a: {  	_ =	shalt  }
0x6b: {  	_ =	shalt  }
0x6c: {  	_ =	shalt  }
0x6d: {  	_ =	shalt  }
0x6e: {  	_ =	shalt  }
0x6f: {  	_ =	shalt  }
0x70: {  	_ =	shalt  }
0x71: {  	_ =	shalt  }
0x72: {  	_ =	shalt  }
0x73: {  	_ =	shalt  }
0x74: {  	_ =	shalt  }
0x75: {  	_ =	shalt  }
0x76: {  	_ =	shalt  }
0x77: {  	_ =	shalt  }
0x78: {  	_ =	shalt  }
0x79: {  	_ =	shalt  }
0x7a: {  	_ =	shalt  }
0x7b: {  	_ =	shalt  }
0x7c: {  	_ =	shalt  }
0x7d: {  	_ =	shalt  }
0x7e: {  	_ =	shalt  }
0x7f: {  	_ =	shalt  }
0x80: {  	_ =	shalt  }
0x81: {  	_ =	shalt  }
0x82: {  	_ =	shalt  }
0x83: {  	_ =	shalt  }
0x84: {  	_ =	shalt  }
0x85: {  	_ =	shalt  }
0x86: {  	_ =	shalt  }
0x87: {  	_ =	shalt  }
.Lfunc_end0:
.L_simem_size_0:
called_computation.1_lowered:
.L_overlay_start_0:
0x88: {  	s2 =	sld [smem:$0x3FD9]  }
0x89: {  	s3 =	sld [smem:$0x3FFE];
	_ =	sdelay $0x1  }
0x8a: {  	s1 =	srdreg.scid  }
0x8b: {  	s0 =	sand.u32 $0x1, s1  }
0x8c: {  	s17 =	sshll.u32 s0, $0xA;
	s2 =	sadd.s32 s3, s2  }
0x8d: {  	s2 =	sadd.s32 s2, s17  }
0x8e: {  	[smem:$0x3FC6] =	sst s2  }
0x8f: {  	_ = 	snop  }
0x90: {  	s2 =	sld [smem:$0x3FD0];
	(tm) =	ssettm $0x1  }
0x91: {  	s18 =	sld [smem:$0x3FFB];
	_ =	sdelay $0x3  }
0x92: {  	_ =	strace s18  }
0x93: {  	s3 =	sld [smem:$0x3FFC];
	_ =	sdelay $0x3  }
0x94: {  	_ =	strace s3  }
0x95: {  	s3 =	sld [smem:$0x3FFD];
	_ =	sdelay $0x3  }
0x96: {  	_ =	strace s3  }
0x97: {  	_ =	strace $0x8FFFFFFF  }
0x98: {  	s19 =	sld [smem:$0x3FDB];
	_ =	sdelay $0x1  }
0x99: {  	s4 =	simm.s32 $_scs_section_size  }
0x9a: {  	s5 =	simm.s32 $_size__tile_overlayer_lowered;
	s6 =	simm.s32 $_tile_overlayer_lowered  }
0x9b: {  	s22 =	simm.s32 $0x1BFF;
	s21 =	sshll.u32 s6, $0x1;
	s3 =	sadd.s32 s4, s19  }
0x9c: {  	s7 =	simm.s32 $0x0;
	s20 =	sshll.u32 s5, $0x1;
	s5 =	sadd.s32 s21, s3  }
0x9d: {  	[timem:s7], [sflag:s22] =	dma.local [hbm:s5], s20  }
0x9e: {  	_ =	swait.ge [sflag:s22], s20  }
0x9f: {  	s4 =	ssub.s32 $0x0, s20;
	[sflag:s22] =	ssyncset.done $0x0  }
0xa0: {  	[sflag:s22] =	ssyncadd.s32 s4;
	_ =	sdelay $0x1  }
0xa1: {  	s23 =	simm.s32 $0x1B8B  }
0xa2: {  	_ =	swait.ge [sflag:s23], $0x1  }
0xa3: {  	[sflag:s23] =	ssyncset.done $0x0  }
0xa4: {  	s25 =	simm.s32 $0x1B8E;
	s24 =	sld [smem:$0x3FFE];
	[sflag:s23] =	ssyncadd.s32 $0xFFFFFFFF  }
0xa5: {  	s26 =	simm.s32 $execute0_lowered;
	[smem:$0x3FD2] =	sst s25  }
0xa6: {  	s5 =	sshll.u32 s26, $0x1;
	_ =	strace $0x80000049;
	[dreg:$0x1] =	wrdreg $0xFFFFFFFF  }
0xa7: {  	s28 =	simm.s32 $_size_execute0_lowered;
	s3 =	sadd.s32 s3, s5;
	[dreg:$0x0] =	wrdreg $0x0  }
0xa8: {  	s5 =	sshll.u32 s28, $0x1;
	[dreg:$0x2] =	wrdreg s3  }
0xa9: {  	[dreg:$0x3] =	wrdreg s5  }
0xaa: {  	[dreg:$0x4] =	wrdreg $0xC0  }
0xab: {  	_ =	task [dreg:s7], $0x5FFFF  }
0xac: {  	[dreg:$0x1] =	wrdreg $0xFFFFFFFF  }
0xad: {  	[dreg:$0x0] =	wrdreg $0x60  }
0xae: {  	[dreg:$0x2] =	wrdreg s24  }
0xaf: {  	[dreg:$0x3] =	wrdreg s2  }
0xb0: {  	[dreg:$0x4] =	wrdreg $0x9  }
0xb1: {  	_ =	task.clear_ibuf [dreg:s7], $0x5FFFF;
	_ =	strace $0x90000049  }
0xb2: {  	s29 =	simm.s32 $0x9;
	_ =	strace $0x8000004B  }
0xb3: {  	_ =	swait.ge [sflag:s29], $0x1  }
0xb4: {  	[sflag:s29] =	ssyncadd.s32 $0xFFFFFFFF  }
0xb5: {  	_ =	strace $0x9000004B  }
0xb6: {  	_ =	sfence  }
0xb7: {  	s30 =	sld [smem:$0x0];
	_ =	sdelay $0x2  }
0xb8: {  	s31 =	sshll.u32 s1, $0xD;
	s1 =	sshrl.u32 s1, $0x2  }
0xb9: {  	s3 =	sand.u32 $0x4000, s31;
	s1 =	sadd.s32 s1, s30  }
0xba: {  	s0 =	sor.u32 s3, s0;
	s1 =	sshll.u32 s1, $0x11  }
0xbb: {  	s0 =	sor.u32 s1, s0  }
0xbc: {  	s0 =	sadd.s32 $0x8F2B, s0  }
0xbd: {  	[sflag:s0] =	ssyncadd.remote.s32 $0x1  }
0xbe: {  	_ =	sfence.sel $0xFFFF  }
0xbf: {  	[dreg:$0x0] =	wrdreg $0xFFFFFFFF;
	(pc) =	sbr.abs _section_cstart, $3  }
0xc0: {  	[dreg:$0x1] =	wrdreg $0xFFFFFFFF  }
0xc1: {  	_ =	task.clear_ibuf [dreg:s7], $0x2FFFF;
	_ =	strace $0x9FFFFFFF  }
0xc2: {  	(tm) =	ssettm $0x7FFFFFFF  }
0xc3: {  	_ =	shalt  }
tec
execute0_lowered:
.L_overlay_start_1:
0x0: {  	(tag) =	ssettag $0x1  }
0x1: {  	s1 =	stileid.u32  }
0x2: {  	p0 =	sgt.u32 s1, $0xD  }
.Ltmp0:
0x3: {  	_ = 	snop;
	(pc) =	sbr.rel @p0 .LBB2_3-.Ltmp0, $4  }
0x4: {  	s4 =	rddreg [dreg:$0x0]  }
0x5: {  	s5 =	rddreg [dreg:$0x1];
	s2 =	simm.s32 $0x0  }
0x6: {  	[smem:$0x7FF] =	sst s2  }
0x7: {  	s0 =	rddreg [dreg:$0x2];
	_ =	strace $0x8000004A  }
0x8: {  	s3 =	srdreg.scid  }
0x9: {  	s30 =	sshll.u32 s1, $0x1;
	s9 =	sadd.s32 $0x12800, s4;
	s11 =	simm.s32 $0xC80  }
0xa: {  	s12 =	simm.s32 $0x1480;
	s13 =	simm.s32 $0x1880;
	s14 =	simm.s32 $0x2080  }
0xb: {  	s15 =	simm.s32 $0x2480;
	s16 =	simm.s32 $0x2C80;
	s17 =	simm.s32 $0x3080  }
0xc: {  	s18 =	simm.s32 $0x3880;
	s19 =	simm.s32 $0x3C80;
	s6 =	sand.u32 $0x1, s3  }
0xd: {  	s20 =	simm.s32 $0x4480;
	s21 =	simm.s32 $0x4880;
	s7 =	sor.u32 s6, s30  }
0xe: {  	s22 =	simm.s32 $0x5080;
	s6 =	ssub.s32 $0x2, s6;
	s8 =	smul.u32 $0xA80, s7  }
0xf: {  	s23 =	simm.s32 $0x1;
	s10 =	sshrl.u32 s6, $0x1;
	s7 =	smul.u32 $0x7, s7  }
0x10: {  	v2 =	vlaneseq.u32;
	s3 =	sadd.s32 $0x200, s4;
	s4 =	sadd.s32 $0x300, s4;
	s31 =	ssub.s32 s6, s10  }
0x11: {  	vm0 =	vmmov $0xffff;
	vm1 =	vmmov $0xff;
	v1 =	vshrl.u32 v2, $0x3;
	s10 =	simm.s32 $0x880;
	s5 =	sadd.s32 s5, s8;
	s6 =	sadd.s32 s9, s7  }
0x12: {  	v0 =	vand.u32 $0x7, v2;
	v2 =	vor.u32 $0x8, v2;
	v1 =	vmul.u32 $0x8, v1;
	s7 =	smax.u32 s31, $0x1;
	s8 =	simm.s32 $0x2;
	s9 =	simm.s32 $0x80  }
.LBB2_2:
0x13: {  	[tilespmem:s2], [sflag:$0x2] =	stream.linear.gather [hbm4b:s6+s2], $0x38, $0x38;
	[tilespmem:$0x5480] =	vst v63  }
0x14: {  	_ =	swait.ge [sflag:s8], $0x38  }
0x15: {  	[sflag:s8] =	ssyncset.done $0x0  }
0x16: {  	[sflag:s8] =	ssyncadd.s32 $0xFFFFFFC8  }
0x17: {  	v3 =	vld [tilespmem:$0x0];
	_ =	sdelay $0x4  }
0x18: {  	v4 =	vshrl.u32 v3, $0x3  }
0x19: {  	v4 =	vmul.u32 $0x18, v4  }
0x1a: {  	v3 =	vand.u32 $0x7, v3  }
0x1b: {  	v3 =	vor.u32 v3, v4  }
0x1c: {  	v4 =	vperm.xlane v3, v0;
	_ =	sdelay $0x1  }
0x1d: {  	v4 =	vadd.s32 v1, v4;
	_ =	sdelay $0x1  }
0x1e: {  	v3 =	vperm.xlane v3, v2;
	_ =	sdelay $0x1  }
0x1f: {  	v3 =	vadd.s32 v1, v3  }
0x20: {  	[tilespmem:s9], [sflag:$0x1] =	stream.indirect_vreg.gather [hbm4b:s3+s2], $0x80, v4, vm0, $0xb8;
	[tilespmem:$0x5480] =	vst v63  }
0x21: {  	_ = 	snop  }
0x22: {  	[tilespmem:s10], [sflag:$0x1] =	stream.indirect_vreg.gather [hbm4b:s4+s2], $0x80, v4, vm1, $0xb8;
	[tilespmem:$0x5480] =	vst v63  }
0x23: {  	_ = 	snop  }
0x24: {  	[tilespmem:s11], [sflag:$0x1] =	stream.indirect_vreg.gather [hbm4b:s3+s2], $0x80, v3, vm0, $0xb8;
	[tilespmem:$0x5480] =	vst v63  }
0x25: {  	_ = 	snop  }
0x26: {  	[tilespmem:s12], [sflag:$0x1] =	stream.indirect_vreg.gather [hbm4b:s4+s2], $0x80, v3, vm1, $0xb8;
	[tilespmem:$0x5480] =	vst v63  }
0x27: {  	v3 =	vld [tilespmem:$0x10];
	_ =	sdelay $0x4  }
0x28: {  	v61 =	vshrl.u32 v3, $0x3  }
0x29: {  	v4 =	vmul.u32 $0x18, v61  }
0x2a: {  	v3 =	vand.u32 $0x7, v3  }
0x2b: {  	v3 =	vor.u32 v3, v4  }
0x2c: {  	v4 =	vperm.xlane v3, v0;
	_ =	sdelay $0x1  }
0x2d: {  	v4 =	vadd.s32 v1, v4;
	_ =	sdelay $0x1  }
0x2e: {  	v3 =	vperm.xlane v3, v2;
	_ =	sdelay $0x1  }
0x2f: {  	v3 =	vadd.s32 v1, v3  }
0x30: {  	[tilespmem:s13], [sflag:$0x1] =	stream.indirect_vreg.gather [hbm4b:s3+s2], $0x80, v4, vm0, $0xb8;
	[tilespmem:$0x5480] =	vst v63  }
0x31: {  	_ = 	snop  }
0x32: {  	[tilespmem:s14], [sflag:$0x1] =	stream.indirect_vreg.gather [hbm4b:s4+s2], $0x80, v4, vm1, $0xb8;
	[tilespmem:$0x5480] =	vst v63  }
0x33: {  	_ = 	snop  }
0x34: {  	[tilespmem:s15], [sflag:$0x1] =	stream.indirect_vreg.gather [hbm4b:s3+s2], $0x80, v3, vm0, $0xb8;
	[tilespmem:$0x5480] =	vst v63  }
0x35: {  	_ = 	snop  }
0x36: {  	[tilespmem:s16], [sflag:$0x1] =	stream.indirect_vreg.gather [hbm4b:s4+s2], $0x80, v3, vm1, $0xb8;
	[tilespmem:$0x5480] =	vst v63  }
0x37: {  	v3 =	vld [tilespmem:$0x20];
	_ =	sdelay $0x4  }
0x38: {  	v62 =	vshrl.u32 v3, $0x3  }
0x39: {  	v4 =	vmul.u32 $0x18, v62  }
0x3a: {  	v3 =	vand.u32 $0x7, v3  }
0x3b: {  	v3 =	vor.u32 v3, v4  }
0x3c: {  	v4 =	vperm.xlane v3, v0;
	_ =	sdelay $0x1  }
0x3d: {  	v4 =	vadd.s32 v1, v4;
	_ =	sdelay $0x1  }
0x3e: {  	v3 =	vperm.xlane v3, v2;
	_ =	sdelay $0x1  }
0x3f: {  	v3 =	vadd.s32 v1, v3  }
0x40: {  	[tilespmem:s17], [sflag:$0x1] =	stream.indirect_vreg.gather [hbm4b:s3+s2], $0x80, v4, vm0, $0xb8;
	[tilespmem:$0x5480] =	vst v63  }
0x41: {  	_ = 	snop  }
0x42: {  	[tilespmem:s18], [sflag:$0x1] =	stream.indirect_vreg.gather [hbm4b:s4+s2], $0x80, v4, vm1, $0xb8;
	[tilespmem:$0x5480] =	vst v63  }
0x43: {  	_ = 	snop  }
0x44: {  	[tilespmem:s19], [sflag:$0x1] =	stream.indirect_vreg.gather [hbm4b:s3+s2], $0x80, v3, vm0, $0xb8;
	[tilespmem:$0x5480] =	vst v63  }
0x45: {  	_ = 	snop  }
0x46: {  	[tilespmem:s20], [sflag:$0x1] =	stream.indirect_vreg.gather [hbm4b:s4+s2], $0x80, v3, vm1, $0xb8;
	[tilespmem:$0x5480] =	vst v63  }
0x47: {  	v3 =	vld.msk [tilespmem:$0x30], $0xff;
	_ =	sdelay $0x4  }
0x48: {  	v63 =	vshrl.u32 v3, $0x3  }
0x49: {  	v4 =	vmul.u32 $0x18, v63  }
0x4a: {  	v3 =	vand.u32 $0x7, v3  }
0x4b: {  	v3 =	vor.u32 v3, v4  }
0x4c: {  	v3 =	vperm.xlane v3, v0;
	_ =	sdelay $0x1  }
0x4d: {  	v3 =	vadd.s32 v1, v3;
	_ =	sdelay $0x4  }
0x4e: {  	[tilespmem:s21], [sflag:$0x1] =	stream.indirect_vreg.gather [hbm4b:s3+s2], $0x80, v3, vm0, $0xb8;
	[tilespmem:$0x5480] =	vst v63  }
0x4f: {  	_ = 	snop  }
0x50: {  	[tilespmem:s22], [sflag:$0x1] =	stream.indirect_vreg.gather [hbm4b:s4+s2], $0x80, v3, vm1, $0xb8;
	[tilespmem:$0x5480] =	vst v63  }
0x51: {  	_ =	swait.ge [sflag:s23], $0x5400  }
0x52: {  	p0 =	sne.s32 s7, $0x1;
	[sflag:s23] =	ssyncset.done $0x0  }
.Ltmp1:
0x53: {  	[sflag:s23] =	ssyncadd.s32 $0xFFFFAC00;
	(pc) =	sbr.rel @p0 .LBB2_2-.Ltmp1, $4  }
0x54: {  	[hbm4b:s5+s2] =	stream.linear.scatter [tilespmem:s9], [sflag:$0x2], $0x5400, $0x38;
	[tilespmem:$0x5480] =	vst v63  }
0x55: {  	_ =	swait.ge [sflag:s8], $0x5400  }
0x56: {  	[sflag:s8] =	ssyncset.done $0x0  }
0x57: {  	s7 =	sadd.s32 $0xFFFFFFFF, s7;
	[sflag:s8] =	ssyncadd.s32 $0xFFFFAC00  }
.LBB2_3:
0x58: {  	_ =	sfence.sel $0x180000  }
0x59: {  	[bflag:$0x0] =	sbarrier.arrive $0xFFFF  }
0x5a: {  	p0 =	sne.s32 s1, $0x0;
	_ =	strace $0x9000004A  }
0x5b: {  	s0 =	sadd.s32 @!p0 $0x100000, s0;
	[bflag:$0x2] =	sbarrier.arrive $0xFFFF  }
0x5c: {  	[sflag:s0] =	ssyncadd.tile.s32 @!p0 $0x1;
	_ =	shalt  }
.Lfunc_end2:
_tile_overlayer_lowered:
.L_overlay_start_2:
0x5d: {  	(tag) =	ssettag $0x2  }
0x5e: {  	s0 =	rddreg [dreg:$0x0];
	s2 =	stileid.u32  }
0x5f: {  	s1 =	rddreg [dreg:$0x1];
	p0 =	sne.s32 s2, $0x0  }
0x60: {  	s3 =	rddreg [dreg:$0x2];
	[bflag:$0x3] =	sbarrier.arrive $0xFFFF;
	s2 =	simm.s32 @!p0 $0x1C02  }
0x61: {  	[timem:s3], [sflag:s2] =	dma.local @!p0 [hbm:s0], s1  }
0x62: {  	s0 =	simm.s32 @!p0 $0x2  }
0x63: {  	_ =	swait.ge @!p0 [sflag:s0], s1  }
0x64: {  	s1 =	ssub.s32 @!p0 $0x0, s1;
	[sflag:s0] =	ssyncset.done @!p0 $0x0  }
0x65: {  	[sflag:s0] =	ssyncadd.s32 @!p0 s1  }
0x66: {  	[bflag:$0x3] =	sbarrier.arrive $0xFFFF  }
0x67: {  	_ =	shalt  }

</sc_bundles>
